<compile_context>
chip_gen: v7x
topology: tpu7x:2x2x1
jax: 0.10.2.dev20260603
libtpu: 0.0.44.dev20260713+nightly
codegen_flags: <defaults>
</compile_context>

<pallas_src>
import functools

import jax
import jax.numpy as jnp
from jax import lax
from jax.experimental import pallas as pl
from jax.experimental.pallas import tpu as pltpu
from jax.experimental.pallas import tpu_sc as plsc

BATCH = 16384
TIMESTEPS = 200
EMBED_DIM = 32
N = BATCH * TIMESTEPS
NUM_CORES = 2
NUM_SUBCORES = 16
NUM_WORKERS = NUM_CORES * NUM_SUBCORES
PER_WORKER = N // NUM_WORKERS
NBUF = 4
K = NBUF - 2
CHUNK = 800
NCHUNK = PER_WORKER // CHUNK
NOUT = NCHUNK // NBUF

_mesh = plsc.VectorSubcoreMesh(core_axis_name="c", subcore_axis_name="s")


@functools.partial(
    pl.kernel,
    mesh=_mesh,
    out_type=jax.ShapeDtypeStruct((N, EMBED_DIM), jnp.float32),
    scratch_types=[
        pltpu.VMEM((NBUF, CHUNK), jnp.int32),
        pltpu.VMEM((NBUF, CHUNK, EMBED_DIM), jnp.float32),
        [pltpu.SemaphoreType.DMA] * NBUF,
        [pltpu.SemaphoreType.DMA] * NBUF,
        [pltpu.SemaphoreType.DMA] * NBUF,
    ],
    compiler_params=pltpu.CompilerParams(use_tc_tiling_on_sc=False),
)
def _emb_lookup(items_hbm, table_hbm, out_hbm, idx_v, rows_v,
                idx_sems, gat_sems, out_sems):
    wid = lax.axis_index("s") * NUM_CORES + lax.axis_index("c")
    base = wid * PER_WORKER

    def start_idx(c, b):
        off = base + c * CHUNK
        pltpu.async_copy(items_hbm.at[pl.ds(off, CHUNK)], idx_v.at[b],
                         idx_sems[b])

    def wait_idx(b):
        pltpu.make_async_copy(items_hbm.at[pl.ds(base, CHUNK)], idx_v.at[b],
                              idx_sems[b]).wait()

    def start_gather(b):
        pltpu.async_copy(table_hbm.at[idx_v.at[b]], rows_v.at[b], gat_sems[b])

    def wait_gather(b):
        pltpu.make_async_copy(table_hbm.at[idx_v.at[b]], rows_v.at[b],
                              gat_sems[b]).wait()

    def start_store(c, b):
        off = base + c * CHUNK
        pltpu.async_copy(rows_v.at[b], out_hbm.at[pl.ds(off, CHUNK)],
                         out_sems[b])

    def wait_store(b):
        pltpu.make_async_copy(rows_v.at[b], out_hbm.at[pl.ds(base, CHUNK)],
                              out_sems[b]).wait()

    for b in range(NBUF):
        start_idx(b, b)
    for b in range(NBUF):
        c = b
        wait_idx(b)
        start_gather(b)
        d = c - K
        if d >= 0:
            bd = (b - K) % NBUF
            wait_gather(bd)
            start_store(d, bd)
            start_idx(d + NBUF, bd)

    def body(o, carry):
        for b in range(NBUF):
            c = o * NBUF + b
            wait_store(b)
            wait_idx(b)
            start_gather(b)
            d = c - K
            bd = (b - K) % NBUF
            wait_gather(bd)
            start_store(d, bd)
            start_idx(d + NBUF, bd)
        return carry

    lax.fori_loop(1, NOUT - 1, body, 0)

    for b in range(NBUF):
        c = (NOUT - 1) * NBUF + b
        wait_store(b)
        wait_idx(b)
        start_gather(b)
        d = c - K
        bd = (b - K) % NBUF
        wait_gather(bd)
        start_store(d, bd)
        if d + NBUF < NCHUNK:
            start_idx(d + NBUF, bd)

    for j in range(K):
        d = NCHUNK - K + j
        bd = d % NBUF
        wait_gather(bd)
        start_store(d, bd)
    for b in range(NBUF):
        wait_store(b)


def kernel(items, table):
    flat = items.reshape(N).astype(jnp.int32)
    out = _emb_lookup(flat, table)
    return out.reshape(BATCH, TIMESTEPS, EMBED_DIM)

# --- scband reference (transcript-rebuilt; emitter-appended) ---
"""Pipeline reference for scband-type-encoding-2757369004078 (READ-ONLY COPY).

The authoritative reference and input builder live on the scoring server;
editing this copy changes nothing except your own understanding.
"""

import jax, jax.numpy as jnp
import numpy as np

VOCAB = 100000
EMBED_DIM = 32
BATCH = 16384
TIMESTEPS = 200

def setup_inputs(seed: int = 0) -> dict:
    key = jax.random.key(seed)
    k1, k2 = jax.random.split(key)
    items = jax.random.randint(k1, (BATCH, TIMESTEPS), 0, VOCAB, dtype=jnp.int64 if jax.config.jax_enable_x64 else jnp.int32)
    table = jax.random.normal(k2, (VOCAB, EMBED_DIM), dtype=jnp.float32)
    return {"items": items, "table": table}

def reference(items, table):
    # Embedding lookup: (B, T) int ids -> (B, T, D) embeddings
    return jnp.take(table, items, axis=0)

if __name__ == "__main__":
    import jax
    _d = setup_inputs()
    print(jax.jit(kernel)(*tuple(_d.values())))

</pallas_src>

<mosaic_0001>
#map = affine_map<(d0, d1) -> (0)>
#map1 = affine_map<(d0, d1) -> (0, 0)>
module attributes {stable_mosaic.version = 14 : i64} {
  func.func @_emb_lookup(%arg0: i32, %arg1: i32, %arg2: memref<3276800xi32, #tpu.memory_space<hbm>>, %arg3: memref<100000x32xf32, #tpu.memory_space<hbm>>, %arg4: memref<3276800x32xf32, #tpu.memory_space<hbm>>, %arg5: memref<4x800xi32, #tpu.memory_space<vmem>>, %arg6: memref<4x800x32xf32, #tpu.memory_space<vmem>>, %arg7: memref<!tpu.dma_semaphore, #tpu.memory_space<semaphore_mem>>, %arg8: memref<!tpu.dma_semaphore, #tpu.memory_space<semaphore_mem>>, %arg9: memref<!tpu.dma_semaphore, #tpu.memory_space<semaphore_mem>>, %arg10: memref<!tpu.dma_semaphore, #tpu.memory_space<semaphore_mem>>, %arg11: memref<!tpu.dma_semaphore, #tpu.memory_space<semaphore_mem>>, %arg12: memref<!tpu.dma_semaphore, #tpu.memory_space<semaphore_mem>>, %arg13: memref<!tpu.dma_semaphore, #tpu.memory_space<semaphore_mem>>, %arg14: memref<!tpu.dma_semaphore, #tpu.memory_space<semaphore_mem>>, %arg15: memref<!tpu.dma_semaphore, #tpu.memory_space<semaphore_mem>>, %arg16: memref<!tpu.dma_semaphore, #tpu.memory_space<semaphore_mem>>, %arg17: memref<!tpu.dma_semaphore, #tpu.memory_space<semaphore_mem>>, %arg18: memref<!tpu.dma_semaphore, #tpu.memory_space<semaphore_mem>>) attributes {dimension_semantics = [#tpu.dimension_semantics<core_parallel>, #tpu.dimension_semantics<subcore_parallel>], iteration_bounds = array<i64: 2, 16>, scalar_prefetch = 0 : i64, scratch_operands = 14 : i64, tpu.core_type = #tpu.core_type<sc_vector_subcore>, window_params = [{transform_indices = #map}, {transform_indices = #map1}, {transform_indices = #map1}]} {
    %mul3A = arith.constant 2 : i32
    %mul3A_0 = arith.muli %arg1, %mul3A : i32
    %add3A = arith.addi %mul3A_0, %arg0 : i32
    %mul3A_1 = arith.constant 102400 : i32
    %mul3A_2 = arith.muli %add3A, %mul3A_1 : i32
    %add3A_3 = arith.constant 0 : i32
    %add3A_4 = arith.addi %mul3A_2, %add3A_3 : i32
    %dma_start3A = arith.constant 0 : i32
    %dma_start3A_5 = arith.constant 0 : i32
    %dma_start3A_6 = tpu.memref_slice %arg5[%dma_start3A, %dma_start3A_5] : memref<4x800xi32, #tpu.memory_space<vmem>> -> memref<1x800xi32, #tpu.memory_space<vmem>>
    %dma_start3A_7 = tpu.memref_squeeze %dma_start3A_6 : memref<1x800xi32, #tpu.memory_space<vmem>> -> memref<800xi32, #tpu.memory_space<vmem>>
    %dma_start3A_8 = tpu.memref_slice %arg2[%add3A_4] : memref<3276800xi32, #tpu.memory_space<hbm>> -> memref<800xi32, #tpu.memory_space<hbm>>
    %dma_start3A_9 = arith.constant 0 : i32
    %dma_start3A_10 = tpu.memref_slice %arg5[%dma_start3A, %dma_start3A_9] : memref<4x800xi32, #tpu.memory_space<vmem>> -> memref<1x800xi32, #tpu.memory_space<vmem>>
    %dma_start3A_11 = tpu.memref_squeeze %dma_start3A_10 : memref<1x800xi32, #tpu.memory_space<vmem>> -> memref<800xi32, #tpu.memory_space<vmem>>
    %dma_start3A_12 = tpu.memref_slice %arg2[%add3A_4] : memref<3276800xi32, #tpu.memory_space<hbm>> -> memref<800xi32, #tpu.memory_space<hbm>>
    tpu.enqueue_dma source(%dma_start3A_12 : memref<800xi32, #tpu.memory_space<hbm>>) target(%dma_start3A_11 : memref<800xi32, #tpu.memory_space<vmem>>) target_semaphore(%arg7 : memref<!tpu.dma_semaphore, #tpu.memory_space<semaphore_mem>>)
    %add3A_13 = arith.constant 800 : i32
    %add3A_14 = arith.addi %mul3A_2, %add3A_13 : i32
    %dma_start3A_15 = arith.constant 1 : i32
    %dma_start3A_16 = arith.constant 0 : i32
    %dma_start3A_17 = tpu.memref_slice %arg5[%dma_start3A_15, %dma_start3A_16] : memref<4x800xi32, #tpu.memory_space<vmem>> -> memref<1x800xi32, #tpu.memory_space<vmem>>
    %dma_start3A_18 = tpu.memref_squeeze %dma_start3A_17 : memref<1x800xi32, #tpu.memory_space<vmem>> -> memref<800xi32, #tpu.memory_space<vmem>>
    %dma_start3A_19 = tpu.memref_slice %arg2[%add3A_14] : memref<3276800xi32, #tpu.memory_space<hbm>> -> memref<800xi32, #tpu.memory_space<hbm>>
    %dma_start3A_20 = arith.constant 0 : i32
    %dma_start3A_21 = tpu.memref_slice %arg5[%dma_start3A_15, %dma_start3A_20] : memref<4x800xi32, #tpu.memory_space<vmem>> -> memref<1x800xi32, #tpu.memory_space<vmem>>
    %dma_start3A_22 = tpu.memref_squeeze %dma_start3A_21 : memref<1x800xi32, #tpu.memory_space<vmem>> -> memref<800xi32, #tpu.memory_space<vmem>>
    %dma_start3A_23 = tpu.memref_slice %arg2[%add3A_14] : memref<3276800xi32, #tpu.memory_space<hbm>> -> memref<800xi32, #tpu.memory_space<hbm>>
    tpu.enqueue_dma source(%dma_start3A_23 : memref<800xi32, #tpu.memory_space<hbm>>) target(%dma_start3A_22 : memref<800xi32, #tpu.memory_space<vmem>>) target_semaphore(%arg8 : memref<!tpu.dma_semaphore, #tpu.memory_space<semaphore_mem>>)
    %add3A_24 = arith.constant 1600 : i32
    %add3A_25 = arith.addi %mul3A_2, %add3A_24 : i32
    %dma_start3A_26 = arith.constant 2 : i32
    %dma_start3A_27 = arith.constant 0 : i32
    %dma_start3A_28 = tpu.memref_slice %arg5[%dma_start3A_26, %dma_start3A_27] : memref<4x800xi32, #tpu.memory_space<vmem>> -> memref<1x800xi32, #tpu.memory_space<vmem>>
    %dma_start3A_29 = tpu.memref_squeeze %dma_start3A_28 : memref<1x800xi32, #tpu.memory_space<vmem>> -> memref<800xi32, #tpu.memory_space<vmem>>
    %dma_start3A_30 = tpu.memref_slice %arg2[%add3A_25] : memref<3276800xi32, #tpu.memory_space<hbm>> -> memref<800xi32, #tpu.memory_space<hbm>>
    %dma_start3A_31 = arith.constant 0 : i32
    %dma_start3A_32 = tpu.memref_slice %arg5[%dma_start3A_26, %dma_start3A_31] : memref<4x800xi32, #tpu.memory_space<vmem>> -> memref<1x800xi32, #tpu.memory_space<vmem>>
    %dma_start3A_33 = tpu.memref_squeeze %dma_start3A_32 : memref<1x800xi32, #tpu.memory_space<vmem>> -> memref<800xi32, #tpu.memory_space<vmem>>
    %dma_start3A_34 = tpu.memref_slice %arg2[%add3A_25] : memref<3276800xi32, #tpu.memory_space<hbm>> -> memref<800xi32, #tpu.memory_space<hbm>>
    tpu.enqueue_dma source(%dma_start3A_34 : memref<800xi32, #tpu.memory_space<hbm>>) target(%dma_start3A_33 : memref<800xi32, #tpu.memory_space<vmem>>) target_semaphore(%arg9 : memref<!tpu.dma_semaphore, #tpu.memory_space<semaphore_mem>>)
    %add3A_35 = arith.constant 2400 : i32
    %add3A_36 = arith.addi %mul3A_2, %add3A_35 : i32
    %dma_start3A_37 = arith.constant 3 : i32
    %dma_start3A_38 = arith.constant 0 : i32
    %dma_start3A_39 = tpu.memref_slice %arg5[%dma_start3A_37, %dma_start3A_38] : memref<4x800xi32, #tpu.memory_space<vmem>> -> memref<1x800xi32, #tpu.memory_space<vmem>>
    %dma_start3A_40 = tpu.memref_squeeze %dma_start3A_39 : memref<1x800xi32, #tpu.memory_space<vmem>> -> memref<800xi32, #tpu.memory_space<vmem>>
    %dma_start3A_41 = tpu.memref_slice %arg2[%add3A_36] : memref<3276800xi32, #tpu.memory_space<hbm>> -> memref<800xi32, #tpu.memory_space<hbm>>
    %dma_start3A_42 = arith.constant 0 : i32
    %dma_start3A_43 = tpu.memref_slice %arg5[%dma_start3A_37, %dma_start3A_42] : memref<4x800xi32, #tpu.memory_space<vmem>> -> memref<1x800xi32, #tpu.memory_space<vmem>>
    %dma_start3A_44 = tpu.memref_squeeze %dma_start3A_43 : memref<1x800xi32, #tpu.memory_space<vmem>> -> memref<800xi32, #tpu.memory_space<vmem>>
    %dma_start3A_45 = tpu.memref_slice %arg2[%add3A_36] : memref<3276800xi32, #tpu.memory_space<hbm>> -> memref<800xi32, #tpu.memory_space<hbm>>
    tpu.enqueue_dma source(%dma_start3A_45 : memref<800xi32, #tpu.memory_space<hbm>>) target(%dma_start3A_44 : memref<800xi32, #tpu.memory_space<vmem>>) target_semaphore(%arg10 : memref<!tpu.dma_semaphore, #tpu.memory_space<semaphore_mem>>)
    %dma_wait3A = arith.constant 0 : i32
    %dma_wait3A_46 = arith.constant 0 : i32
    %dma_wait3A_47 = tpu.memref_slice %arg5[%dma_wait3A, %dma_wait3A_46] : memref<4x800xi32, #tpu.memory_space<vmem>> -> memref<1x800xi32, #tpu.memory_space<vmem>>
    %dma_wait3A_48 = tpu.memref_squeeze %dma_wait3A_47 : memref<1x800xi32, #tpu.memory_space<vmem>> -> memref<800xi32, #tpu.memory_space<vmem>>
    %dma_wait3A_49 = tpu.memref_slice %arg2[%mul3A_2] : memref<3276800xi32, #tpu.memory_space<hbm>> -> memref<800xi32, #tpu.memory_space<hbm>>
    %dma_wait3A_50 = arith.constant 0 : i32
    %dma_wait3A_51 = tpu.memref_slice %arg5[%dma_wait3A, %dma_wait3A_50] : memref<4x800xi32, #tpu.memory_space<vmem>> -> memref<1x800xi32, #tpu.memory_space<vmem>>
    %dma_wait3A_52 = tpu.memref_squeeze %dma_wait3A_51 : memref<1x800xi32, #tpu.memory_space<vmem>> -> memref<800xi32, #tpu.memory_space<vmem>>
    %dma_wait3A_53 = tpu.memref_slice %arg2[%mul3A_2] : memref<3276800xi32, #tpu.memory_space<hbm>> -> memref<800xi32, #tpu.memory_space<hbm>>
    tpu.wait_dma2 semaphore(%arg7 : memref<!tpu.dma_semaphore, #tpu.memory_space<semaphore_mem>>) src(%dma_wait3A_53 : memref<800xi32, #tpu.memory_space<hbm>>) dst(%dma_wait3A_52 : memref<800xi32, #tpu.memory_space<vmem>>)
    %dma_start3A_54 = arith.constant 0 : i32
    %dma_start3A_55 = arith.constant 0 : i32
    %dma_start3A_56 = arith.constant 0 : i32
    %dma_start3A_57 = arith.constant 0 : i32
    %dma_start3A_58 = tpu.memref_slice %arg6[%dma_start3A_55, %dma_start3A_56, %dma_start3A_57] : memref<4x800x32xf32, #tpu.memory_space<vmem>> -> memref<1x800x32xf32, #tpu.memory_space<vmem>>
    %dma_start3A_59 = tpu.memref_squeeze %dma_start3A_58 : memref<1x800x32xf32, #tpu.memory_space<vmem>> -> memref<800x32xf32, #tpu.memory_space<vmem>>
    %dma_start3A_60 = arith.constant 0 : i32
    %dma_start3A_61 = tpu.memref_slice %arg5[%dma_start3A_54, %dma_start3A_60] : memref<4x800xi32, #tpu.memory_space<vmem>> -> memref<1x800xi32, #tpu.memory_space<vmem>>
    %dma_start3A_62 = tpu.memref_squeeze %dma_start3A_61 : memref<1x800xi32, #tpu.memory_space<vmem>> -> memref<800xi32, #tpu.memory_space<vmem>>
    %dma_start3A_63 = arith.constant 0 : i32
    %dma_start3A_64 = arith.constant 0 : i32
    %dma_start3A_65 = tpu.memref_slice %arg3[%dma_start3A_63, %dma_start3A_64] : memref<100000x32xf32, #tpu.memory_space<hbm>> -> memref<100000x32xf32, #tpu.memory_space<hbm>>
    tpu.enqueue_indirect_dma source(%dma_start3A_65 : memref<100000x32xf32, #tpu.memory_space<hbm>>) target(%dma_start3A_59 : memref<800x32xf32, #tpu.memory_space<vmem>>) offsets(%dma_start3A_62 : memref<800xi32, #tpu.memory_space<vmem>>) semaphore(%arg11 : memref<!tpu.dma_semaphore, #tpu.memory_space<semaphore_mem>>)
    %dma_wait3A_66 = arith.constant 1 : i32
    %dma_wait3A_67 = arith.constant 0 : i32
    %dma_wait3A_68 = tpu.memref_slice %arg5[%dma_wait3A_66, %dma_wait3A_67] : memref<4x800xi32, #tpu.memory_space<vmem>> -> memref<1x800xi32, #tpu.memory_space<vmem>>
    %dma_wait3A_69 = tpu.memref_squeeze %dma_wait3A_68 : memref<1x800xi32, #tpu.memory_space<vmem>> -> memref<800xi32, #tpu.memory_space<vmem>>
    %dma_wait3A_70 = tpu.memref_slice %arg2[%mul3A_2] : memref<3276800xi32, #tpu.memory_space<hbm>> -> memref<800xi32, #tpu.memory_space<hbm>>
    %dma_wait3A_71 = arith.constant 0 : i32
    %dma_wait3A_72 = tpu.memref_slice %arg5[%dma_wait3A_66, %dma_wait3A_71] : memref<4x800xi32, #tpu.memory_space<vmem>> -> memref<1x800xi32, #tpu.memory_space<vmem>>
    %dma_wait3A_73 = tpu.memref_squeeze %dma_wait3A_72 : memref<1x800xi32, #tpu.memory_space<vmem>> -> memref<800xi32, #tpu.memory_space<vmem>>
    %dma_wait3A_74 = tpu.memref_slice %arg2[%mul3A_2] : memref<3276800xi32, #tpu.memory_space<hbm>> -> memref<800xi32, #tpu.memory_space<hbm>>
    tpu.wait_dma2 semaphore(%arg8 : memref<!tpu.dma_semaphore, #tpu.memory_space<semaphore_mem>>) src(%dma_wait3A_74 : memref<800xi32, #tpu.memory_space<hbm>>) dst(%dma_wait3A_73 : memref<800xi32, #tpu.memory_space<vmem>>)
    %dma_start3A_75 = arith.constant 1 : i32
    %dma_start3A_76 = arith.constant 1 : i32
    %dma_start3A_77 = arith.constant 0 : i32
    %dma_start3A_78 = arith.constant 0 : i32
    %dma_start3A_79 = tpu.memref_slice %arg6[%dma_start3A_76, %dma_start3A_77, %dma_start3A_78] : memref<4x800x32xf32, #tpu.memory_space<vmem>> -> memref<1x800x32xf32, #tpu.memory_space<vmem>>
    %dma_start3A_80 = tpu.memref_squeeze %dma_start3A_79 : memref<1x800x32xf32, #tpu.memory_space<vmem>> -> memref<800x32xf32, #tpu.memory_space<vmem>>
    %dma_start3A_81 = arith.constant 0 : i32
    %dma_start3A_82 = tpu.memref_slice %arg5[%dma_start3A_75, %dma_start3A_81] : memref<4x800xi32, #tpu.memory_space<vmem>> -> memref<1x800xi32, #tpu.memory_space<vmem>>
    %dma_start3A_83 = tpu.memref_squeeze %dma_start3A_82 : memref<1x800xi32, #tpu.memory_space<vmem>> -> memref<800xi32, #tpu.memory_space<vmem>>
    %dma_start3A_84 = arith.constant 0 : i32
    %dma_start3A_85 = arith.constant 0 : i32
    %dma_start3A_86 = tpu.memref_slice %arg3[%dma_start3A_84, %dma_start3A_85] : memref<100000x32xf32, #tpu.memory_space<hbm>> -> memref<100000x32xf32, #tpu.memory_space<hbm>>
    tpu.enqueue_indirect_dma source(%dma_start3A_86 : memref<100000x32xf32, #tpu.memory_space<hbm>>) target(%dma_start3A_80 : memref<800x32xf32, #tpu.memory_space<vmem>>) offsets(%dma_start3A_83 : memref<800xi32, #tpu.memory_space<vmem>>) semaphore(%arg12 : memref<!tpu.dma_semaphore, #tpu.memory_space<semaphore_mem>>)
    %dma_wait3A_87 = arith.constant 2 : i32
    %dma_wait3A_88 = arith.constant 0 : i32
    %dma_wait3A_89 = tpu.memref_slice %arg5[%dma_wait3A_87, %dma_wait3A_88] : memref<4x800xi32, #tpu.memory_space<vmem>> -> memref<1x800xi32, #tpu.memory_space<vmem>>
    %dma_wait3A_90 = tpu.memref_squeeze %dma_wait3A_89 : memref<1x800xi32, #tpu.memory_space<vmem>> -> memref<800xi32, #tpu.memory_space<vmem>>
    %dma_wait3A_91 = tpu.memref_slice %arg2[%mul3A_2] : memref<3276800xi32, #tpu.memory_space<hbm>> -> memref<800xi32, #tpu.memory_space<hbm>>
    %dma_wait3A_92 = arith.constant 0 : i32
    %dma_wait3A_93 = tpu.memref_slice %arg5[%dma_wait3A_87, %dma_wait3A_92] : memref<4x800xi32, #tpu.memory_space<vmem>> -> memref<1x800xi32, #tpu.memory_space<vmem>>
    %dma_wait3A_94 = tpu.memref_squeeze %dma_wait3A_93 : memref<1x800xi32, #tpu.memory_space<vmem>> -> memref<800xi32, #tpu.memory_space<vmem>>
    %dma_wait3A_95 = tpu.memref_slice %arg2[%mul3A_2] : memref<3276800xi32, #tpu.memory_space<hbm>> -> memref<800xi32, #tpu.memory_space<hbm>>
    tpu.wait_dma2 semaphore(%arg9 : memref<!tpu.dma_semaphore, #tpu.memory_space<semaphore_mem>>) src(%dma_wait3A_95 : memref<800xi32, #tpu.memory_space<hbm>>) dst(%dma_wait3A_94 : memref<800xi32, #tpu.memory_space<vmem>>)
    %dma_start3A_96 = arith.constant 2 : i32
    %dma_start3A_97 = arith.constant 2 : i32
    %dma_start3A_98 = arith.constant 0 : i32
    %dma_start3A_99 = arith.constant 0 : i32
    %dma_start3A_100 = tpu.memref_slice %arg6[%dma_start3A_97, %dma_start3A_98, %dma_start3A_99] : memref<4x800x32xf32, #tpu.memory_space<vmem>> -> memref<1x800x32xf32, #tpu.memory_space<vmem>>
    %dma_start3A_101 = tpu.memref_squeeze %dma_start3A_100 : memref<1x800x32xf32, #tpu.memory_space<vmem>> -> memref<800x32xf32, #tpu.memory_space<vmem>>
    %dma_start3A_102 = arith.constant 0 : i32
    %dma_start3A_103 = tpu.memref_slice %arg5[%dma_start3A_96, %dma_start3A_102] : memref<4x800xi32, #tpu.memory_space<vmem>> -> memref<1x800xi32, #tpu.memory_space<vmem>>
    %dma_start3A_104 = tpu.memref_squeeze %dma_start3A_103 : memref<1x800xi32, #tpu.memory_space<vmem>> -> memref<800xi32, #tpu.memory_space<vmem>>
    %dma_start3A_105 = arith.constant 0 : i32
    %dma_start3A_106 = arith.constant 0 : i32
    %dma_start3A_107 = tpu.memref_slice %arg3[%dma_start3A_105, %dma_start3A_106] : memref<100000x32xf32, #tpu.memory_space<hbm>> -> memref<100000x32xf32, #tpu.memory_space<hbm>>
    tpu.enqueue_indirect_dma source(%dma_start3A_107 : memref<100000x32xf32, #tpu.memory_space<hbm>>) target(%dma_start3A_101 : memref<800x32xf32, #tpu.memory_space<vmem>>) offsets(%dma_start3A_104 : memref<800xi32, #tpu.memory_space<vmem>>) semaphore(%arg13 : memref<!tpu.dma_semaphore, #tpu.memory_space<semaphore_mem>>)
    %dma_wait3A_108 = arith.constant 0 : i32
    %dma_wait3A_109 = arith.constant 0 : i32
    %dma_wait3A_110 = arith.constant 0 : i32
    %dma_wait3A_111 = arith.constant 0 : i32
    %dma_wait3A_112 = tpu.memref_slice %arg6[%dma_wait3A_109, %dma_wait3A_110, %dma_wait3A_111] : memref<4x800x32xf32, #tpu.memory_space<vmem>> -> memref<1x800x32xf32, #tpu.memory_space<vmem>>
    %dma_wait3A_113 = tpu.memref_squeeze %dma_wait3A_112 : memref<1x800x32xf32, #tpu.memory_space<vmem>> -> memref<800x32xf32, #tpu.memory_space<vmem>>
    %dma_wait3A_114 = arith.constant 0 : i32
    %dma_wait3A_115 = tpu.memref_slice %arg5[%dma_wait3A_108, %dma_wait3A_114] : memref<4x800xi32, #tpu.memory_space<vmem>> -> memref<1x800xi32, #tpu.memory_space<vmem>>
    %dma_wait3A_116 = tpu.memref_squeeze %dma_wait3A_115 : memref<1x800xi32, #tpu.memory_space<vmem>> -> memref<800xi32, #tpu.memory_space<vmem>>
    %dma_wait3A_117 = arith.constant 0 : i32
    %dma_wait3A_118 = arith.constant 0 : i32
    %dma_wait3A_119 = tpu.memref_slice %arg3[%dma_wait3A_117, %dma_wait3A_118] : memref<100000x32xf32, #tpu.memory_space<hbm>> -> memref<100000x32xf32, #tpu.memory_space<hbm>>
    tpu.wait_indirect_dma semaphore(%arg11 : memref<!tpu.dma_semaphore, #tpu.memory_space<semaphore_mem>>) src(%dma_wait3A_119 : memref<100000x32xf32, #tpu.memory_space<hbm>>) dst(%dma_wait3A_113 : memref<800x32xf32, #tpu.memory_space<vmem>>)
    %add3A_120 = arith.constant 0 : i32
    %add3A_121 = arith.addi %mul3A_2, %add3A_120 : i32
    %dma_start3A_122 = arith.constant 0 : i32
    %dma_start3A_123 = arith.constant 0 : i32
    %dma_start3A_124 = arith.constant 0 : i32
    %dma_start3A_125 = tpu.memref_slice %arg6[%dma_start3A_122, %dma_start3A_123, %dma_start3A_124] : memref<4x800x32xf32, #tpu.memory_space<vmem>> -> memref<1x800x32xf32, #tpu.memory_space<vmem>>
    %dma_start3A_126 = tpu.memref_squeeze %dma_start3A_125 : memref<1x800x32xf32, #tpu.memory_space<vmem>> -> memref<800x32xf32, #tpu.memory_space<vmem>>
    %dma_start3A_127 = arith.constant 0 : i32
    %dma_start3A_128 = tpu.memref_slice %arg4[%add3A_121, %dma_start3A_127] : memref<3276800x32xf32, #tpu.memory_space<hbm>> -> memref<800x32xf32, #tpu.memory_space<hbm>>
    %dma_start3A_129 = arith.constant 0 : i32
    %dma_start3A_130 = tpu.memref_slice %arg4[%add3A_121, %dma_start3A_129] : memref<3276800x32xf32, #tpu.memory_space<hbm>> -> memref<800x32xf32, #tpu.memory_space<hbm>>
    %dma_start3A_131 = arith.constant 0 : i32
    %dma_start3A_132 = arith.constant 0 : i32
    %dma_start3A_133 = tpu.memref_slice %arg6[%dma_start3A_122, %dma_start3A_131, %dma_start3A_132] : memref<4x800x32xf32, #tpu.memory_space<vmem>> -> memref<1x800x32xf32, #tpu.memory_space<vmem>>
    %dma_start3A_134 = tpu.memref_squeeze %dma_start3A_133 : memref<1x800x32xf32, #tpu.memory_space<vmem>> -> memref<800x32xf32, #tpu.memory_space<vmem>>
    tpu.enqueue_dma source(%dma_start3A_134 : memref<800x32xf32, #tpu.memory_space<vmem>>) target(%dma_start3A_130 : memref<800x32xf32, #tpu.memory_space<hbm>>) target_semaphore(%arg15 : memref<!tpu.dma_semaphore, #tpu.memory_space<semaphore_mem>>)
    %add3A_135 = arith.constant 3200 : i32
    %add3A_136 = arith.addi %mul3A_2, %add3A_135 : i32
    %dma_start3A_137 = arith.constant 0 : i32
    %dma_start3A_138 = arith.constant 0 : i32
    %dma_start3A_139 = tpu.memref_slice %arg5[%dma_start3A_137, %dma_start3A_138] : memref<4x800xi32, #tpu.memory_space<vmem>> -> memref<1x800xi32, #tpu.memory_space<vmem>>
    %dma_start3A_140 = tpu.memref_squeeze %dma_start3A_139 : memref<1x800xi32, #tpu.memory_space<vmem>> -> memref<800xi32, #tpu.memory_space<vmem>>
    %dma_start3A_141 = tpu.memref_slice %arg2[%add3A_136] : memref<3276800xi32, #tpu.memory_space<hbm>> -> memref<800xi32, #tpu.memory_space<hbm>>
    %dma_start3A_142 = arith.constant 0 : i32
    %dma_start3A_143 = tpu.memref_slice %arg5[%dma_start3A_137, %dma_start3A_142] : memref<4x800xi32, #tpu.memory_space<vmem>> -> memref<1x800xi32, #tpu.memory_space<vmem>>
    %dma_start3A_144 = tpu.memref_squeeze %dma_start3A_143 : memref<1x800xi32, #tpu.memory_space<vmem>> -> memref<800xi32, #tpu.memory_space<vmem>>
    %dma_start3A_145 = tpu.memref_slice %arg2[%add3A_136] : memref<3276800xi32, #tpu.memory_space<hbm>> -> memref<800xi32, #tpu.memory_space<hbm>>
    tpu.enqueue_dma source(%dma_start3A_145 : memref<800xi32, #tpu.memory_space<hbm>>) target(%dma_start3A_144 : memref<800xi32, #tpu.memory_space<vmem>>) target_semaphore(%arg7 : memref<!tpu.dma_semaphore, #tpu.memory_space<semaphore_mem>>)
    %dma_wait3A_146 = arith.constant 3 : i32
    %dma_wait3A_147 = arith.constant 0 : i32
    %dma_wait3A_148 = tpu.memref_slice %arg5[%dma_wait3A_146, %dma_wait3A_147] : memref<4x800xi32, #tpu.memory_space<vmem>> -> memref<1x800xi32, #tpu.memory_space<vmem>>
    %dma_wait3A_149 = tpu.memref_squeeze %dma_wait3A_148 : memref<1x800xi32, #tpu.memory_space<vmem>> -> memref<800xi32, #tpu.memory_space<vmem>>
    %dma_wait3A_150 = tpu.memref_slice %arg2[%mul3A_2] : memref<3276800xi32, #tpu.memory_space<hbm>> -> memref<800xi32, #tpu.memory_space<hbm>>
    %dma_wait3A_151 = arith.constant 0 : i32
    %dma_wait3A_152 = tpu.memref_slice %arg5[%dma_wait3A_146, %dma_wait3A_151] : memref<4x800xi32, #tpu.memory_space<vmem>> -> memref<1x800xi32, #tpu.memory_space<vmem>>
    %dma_wait3A_153 = tpu.memref_squeeze %dma_wait3A_152 : memref<1x800xi32, #tpu.memory_space<vmem>> -> memref<800xi32, #tpu.memory_space<vmem>>
    %dma_wait3A_154 = tpu.memref_slice %arg2[%mul3A_2] : memref<3276800xi32, #tpu.memory_space<hbm>> -> memref<800xi32, #tpu.memory_space<hbm>>
    tpu.wait_dma2 semaphore(%arg10 : memref<!tpu.dma_semaphore, #tpu.memory_space<semaphore_mem>>) src(%dma_wait3A_154 : memref<800xi32, #tpu.memory_space<hbm>>) dst(%dma_wait3A_153 : memref<800xi32, #tpu.memory_space<vmem>>)
    %dma_start3A_155 = arith.constant 3 : i32
    %dma_start3A_156 = arith.constant 3 : i32
    %dma_start3A_157 = arith.constant 0 : i32
    %dma_start3A_158 = arith.constant 0 : i32
    %dma_start3A_159 = tpu.memref_slice %arg6[%dma_start3A_156, %dma_start3A_157, %dma_start3A_158] : memref<4x800x32xf32, #tpu.memory_space<vmem>> -> memref<1x800x32xf32, #tpu.memory_space<vmem>>
    %dma_start3A_160 = tpu.memref_squeeze %dma_start3A_159 : memref<1x800x32xf32, #tpu.memory_space<vmem>> -> memref<800x32xf32, #tpu.memory_space<vmem>>
    %dma_start3A_161 = arith.constant 0 : i32
    %dma_start3A_162 = tpu.memref_slice %arg5[%dma_start3A_155, %dma_start3A_161] : memref<4x800xi32, #tpu.memory_space<vmem>> -> memref<1x800xi32, #tpu.memory_space<vmem>>
    %dma_start3A_163 = tpu.memref_squeeze %dma_start3A_162 : memref<1x800xi32, #tpu.memory_space<vmem>> -> memref<800xi32, #tpu.memory_space<vmem>>
    %dma_start3A_164 = arith.constant 0 : i32
    %dma_start3A_165 = arith.constant 0 : i32
    %dma_start3A_166 = tpu.memref_slice %arg3[%dma_start3A_164, %dma_start3A_165] : memref<100000x32xf32, #tpu.memory_space<hbm>> -> memref<100000x32xf32, #tpu.memory_space<hbm>>
    tpu.enqueue_indirect_dma source(%dma_start3A_166 : memref<100000x32xf32, #tpu.memory_space<hbm>>) target(%dma_start3A_160 : memref<800x32xf32, #tpu.memory_space<vmem>>) offsets(%dma_start3A_163 : memref<800xi32, #tpu.memory_space<vmem>>) semaphore(%arg14 : memref<!tpu.dma_semaphore, #tpu.memory_space<semaphore_mem>>)
    %dma_wait3A_167 = arith.constant 1 : i32
    %dma_wait3A_168 = arith.constant 1 : i32
    %dma_wait3A_169 = arith.constant 0 : i32
    %dma_wait3A_170 = arith.constant 0 : i32
    %dma_wait3A_171 = tpu.memref_slice %arg6[%dma_wait3A_168, %dma_wait3A_169, %dma_wait3A_170] : memref<4x800x32xf32, #tpu.memory_space<vmem>> -> memref<1x800x32xf32, #tpu.memory_space<vmem>>
    %dma_wait3A_172 = tpu.memref_squeeze %dma_wait3A_171 : memref<1x800x32xf32, #tpu.memory_space<vmem>> -> memref<800x32xf32, #tpu.memory_space<vmem>>
    %dma_wait3A_173 = arith.constant 0 : i32
    %dma_wait3A_174 = tpu.memref_slice %arg5[%dma_wait3A_167, %dma_wait3A_173] : memref<4x800xi32, #tpu.memory_space<vmem>> -> memref<1x800xi32, #tpu.memory_space<vmem>>
    %dma_wait3A_175 = tpu.memref_squeeze %dma_wait3A_174 : memref<1x800xi32, #tpu.memory_space<vmem>> -> memref<800xi32, #tpu.memory_space<vmem>>
    %dma_wait3A_176 = arith.constant 0 : i32
    %dma_wait3A_177 = arith.constant 0 : i32
    %dma_wait3A_178 = tpu.memref_slice %arg3[%dma_wait3A_176, %dma_wait3A_177] : memref<100000x32xf32, #tpu.memory_space<hbm>> -> memref<100000x32xf32, #tpu.memory_space<hbm>>
    tpu.wait_indirect_dma semaphore(%arg12 : memref<!tpu.dma_semaphore, #tpu.memory_space<semaphore_mem>>) src(%dma_wait3A_178 : memref<100000x32xf32, #tpu.memory_space<hbm>>) dst(%dma_wait3A_172 : memref<800x32xf32, #tpu.memory_space<vmem>>)
    %add3A_179 = arith.constant 800 : i32
    %add3A_180 = arith.addi %mul3A_2, %add3A_179 : i32
    %dma_start3A_181 = arith.constant 1 : i32
    %dma_start3A_182 = arith.constant 0 : i32
    %dma_start3A_183 = arith.constant 0 : i32
    %dma_start3A_184 = tpu.memref_slice %arg6[%dma_start3A_181, %dma_start3A_182, %dma_start3A_183] : memref<4x800x32xf32, #tpu.memory_space<vmem>> -> memref<1x800x32xf32, #tpu.memory_space<vmem>>
    %dma_start3A_185 = tpu.memref_squeeze %dma_start3A_184 : memref<1x800x32xf32, #tpu.memory_space<vmem>> -> memref<800x32xf32, #tpu.memory_space<vmem>>
    %dma_start3A_186 = arith.constant 0 : i32
    %dma_start3A_187 = tpu.memref_slice %arg4[%add3A_180, %dma_start3A_186] : memref<3276800x32xf32, #tpu.memory_space<hbm>> -> memref<800x32xf32, #tpu.memory_space<hbm>>
    %dma_start3A_188 = arith.constant 0 : i32
    %dma_start3A_189 = tpu.memref_slice %arg4[%add3A_180, %dma_start3A_188] : memref<3276800x32xf32, #tpu.memory_space<hbm>> -> memref<800x32xf32, #tpu.memory_space<hbm>>
    %dma_start3A_190 = arith.constant 0 : i32
    %dma_start3A_191 = arith.constant 0 : i32
    %dma_start3A_192 = tpu.memref_slice %arg6[%dma_start3A_181, %dma_start3A_190, %dma_start3A_191] : memref<4x800x32xf32, #tpu.memory_space<vmem>> -> memref<1x800x32xf32, #tpu.memory_space<vmem>>
    %dma_start3A_193 = tpu.memref_squeeze %dma_start3A_192 : memref<1x800x32xf32, #tpu.memory_space<vmem>> -> memref<800x32xf32, #tpu.memory_space<vmem>>
    tpu.enqueue_dma source(%dma_start3A_193 : memref<800x32xf32, #tpu.memory_space<vmem>>) target(%dma_start3A_189 : memref<800x32xf32, #tpu.memory_space<hbm>>) target_semaphore(%arg16 : memref<!tpu.dma_semaphore, #tpu.memory_space<semaphore_mem>>)
    %add3A_194 = arith.constant 4000 : i32
    %add3A_195 = arith.addi %mul3A_2, %add3A_194 : i32
    %dma_start3A_196 = arith.constant 1 : i32
    %dma_start3A_197 = arith.constant 0 : i32
    %dma_start3A_198 = tpu.memref_slice %arg5[%dma_start3A_196, %dma_start3A_197] : memref<4x800xi32, #tpu.memory_space<vmem>> -> memref<1x800xi32, #tpu.memory_space<vmem>>
    %dma_start3A_199 = tpu.memref_squeeze %dma_start3A_198 : memref<1x800xi32, #tpu.memory_space<vmem>> -> memref<800xi32, #tpu.memory_space<vmem>>
    %dma_start3A_200 = tpu.memref_slice %arg2[%add3A_195] : memref<3276800xi32, #tpu.memory_space<hbm>> -> memref<800xi32, #tpu.memory_space<hbm>>
    %dma_start3A_201 = arith.constant 0 : i32
    %dma_start3A_202 = tpu.memref_slice %arg5[%dma_start3A_196, %dma_start3A_201] : memref<4x800xi32, #tpu.memory_space<vmem>> -> memref<1x800xi32, #tpu.memory_space<vmem>>
    %dma_start3A_203 = tpu.memref_squeeze %dma_start3A_202 : memref<1x800xi32, #tpu.memory_space<vmem>> -> memref<800xi32, #tpu.memory_space<vmem>>
    %dma_start3A_204 = tpu.memref_slice %arg2[%add3A_195] : memref<3276800xi32, #tpu.memory_space<hbm>> -> memref<800xi32, #tpu.memory_space<hbm>>
    tpu.enqueue_dma source(%dma_start3A_204 : memref<800xi32, #tpu.memory_space<hbm>>) target(%dma_start3A_203 : memref<800xi32, #tpu.memory_space<vmem>>) target_semaphore(%arg8 : memref<!tpu.dma_semaphore, #tpu.memory_space<semaphore_mem>>)
    %scan3A = arith.constant 0 : i32
    %scan3A_205 = arith.constant 1 : i32
    %scan3A_206 = arith.constant 30 : i32
    %scan3A_207 = arith.addi %scan3A_205, %scan3A_206 : i32
    %scan3A_208 = arith.constant 1 : i32
    scf.for %scan3A_582 = %scan3A_205 to %scan3A_207 step %scan3A_208  : i32 {
      %mul3A_583 = arith.constant 4 : i32
      %mul3A_584 = arith.muli %scan3A_582, %mul3A_583 : i32
      %add3A_585 = arith.constant 0 : i32
      %add3A_586 = arith.addi %mul3A_584, %add3A_585 : i32
      %dma_wait3A_587 = arith.constant 0 : i32
      %dma_wait3A_588 = arith.constant 0 : i32
      %dma_wait3A_589 = arith.constant 0 : i32
      %dma_wait3A_590 = tpu.memref_slice %arg6[%dma_wait3A_587, %dma_wait3A_588, %dma_wait3A_589] : memref<4x800x32xf32, #tpu.memory_space<vmem>> -> memref<1x800x32xf32, #tpu.memory_space<vmem>>
      %dma_wait3A_591 = tpu.memref_squeeze %dma_wait3A_590 : memref<1x800x32xf32, #tpu.memory_space<vmem>> -> memref<800x32xf32, #tpu.memory_space<vmem>>
      %dma_wait3A_592 = arith.constant 0 : i32
      %dma_wait3A_593 = tpu.memref_slice %arg4[%mul3A_2, %dma_wait3A_592] : memref<3276800x32xf32, #tpu.memory_space<hbm>> -> memref<800x32xf32, #tpu.memory_space<hbm>>
      %dma_wait3A_594 = arith.constant 0 : i32
      %dma_wait3A_595 = tpu.memref_slice %arg4[%mul3A_2, %dma_wait3A_594] : memref<3276800x32xf32, #tpu.memory_space<hbm>> -> memref<800x32xf32, #tpu.memory_space<hbm>>
      %dma_wait3A_596 = arith.constant 0 : i32
      %dma_wait3A_597 = arith.constant 0 : i32
      %dma_wait3A_598 = tpu.memref_slice %arg6[%dma_wait3A_587, %dma_wait3A_596, %dma_wait3A_597] : memref<4x800x32xf32, #tpu.memory_space<vmem>> -> memref<1x800x32xf32, #tpu.memory_space<vmem>>
      %dma_wait3A_599 = tpu.memref_squeeze %dma_wait3A_598 : memref<1x800x32xf32, #tpu.memory_space<vmem>> -> memref<800x32xf32, #tpu.memory_space<vmem>>
      tpu.wait_dma2 semaphore(%arg15 : memref<!tpu.dma_semaphore, #tpu.memory_space<semaphore_mem>>) src(%dma_wait3A_599 : memref<800x32xf32, #tpu.memory_space<vmem>>) dst(%dma_wait3A_595 : memref<800x32xf32, #tpu.memory_space<hbm>>)
      %dma_wait3A_600 = arith.constant 0 : i32
      %dma_wait3A_601 = arith.constant 0 : i32
      %dma_wait3A_602 = tpu.memref_slice %arg5[%dma_wait3A_600, %dma_wait3A_601] : memref<4x800xi32, #tpu.memory_space<vmem>> -> memref<1x800xi32, #tpu.memory_space<vmem>>
      %dma_wait3A_603 = tpu.memref_squeeze %dma_wait3A_602 : memref<1x800xi32, #tpu.memory_space<vmem>> -> memref<800xi32, #tpu.memory_space<vmem>>
      %dma_wait3A_604 = tpu.memref_slice %arg2[%mul3A_2] : memref<3276800xi32, #tpu.memory_space<hbm>> -> memref<800xi32, #tpu.memory_space<hbm>>
      %dma_wait3A_605 = arith.constant 0 : i32
      %dma_wait3A_606 = tpu.memref_slice %arg5[%dma_wait3A_600, %dma_wait3A_605] : memref<4x800xi32, #tpu.memory_space<vmem>> -> memref<1x800xi32, #tpu.memory_space<vmem>>
      %dma_wait3A_607 = tpu.memref_squeeze %dma_wait3A_606 : memref<1x800xi32, #tpu.memory_space<vmem>> -> memref<800xi32, #tpu.memory_space<vmem>>
      %dma_wait3A_608 = tpu.memref_slice %arg2[%mul3A_2] : memref<3276800xi32, #tpu.memory_space<hbm>> -> memref<800xi32, #tpu.memory_space<hbm>>
      tpu.wait_dma2 semaphore(%arg7 : memref<!tpu.dma_semaphore, #tpu.memory_space<semaphore_mem>>) src(%dma_wait3A_608 : memref<800xi32, #tpu.memory_space<hbm>>) dst(%dma_wait3A_607 : memref<800xi32, #tpu.memory_space<vmem>>)
      %dma_start3A_609 = arith.constant 0 : i32
      %dma_start3A_610 = arith.constant 0 : i32
      %dma_start3A_611 = arith.constant 0 : i32
      %dma_start3A_612 = arith.constant 0 : i32
      %dma_start3A_613 = tpu.memref_slice %arg6[%dma_start3A_610, %dma_start3A_611, %dma_start3A_612] : memref<4x800x32xf32, #tpu.memory_space<vmem>> -> memref<1x800x32xf32, #tpu.memory_space<vmem>>
      %dma_start3A_614 = tpu.memref_squeeze %dma_start3A_613 : memref<1x800x32xf32, #tpu.memory_space<vmem>> -> memref<800x32xf32, #tpu.memory_space<vmem>>
      %dma_start3A_615 = arith.constant 0 : i32
      %dma_start3A_616 = tpu.memref_slice %arg5[%dma_start3A_609, %dma_start3A_615] : memref<4x800xi32, #tpu.memory_space<vmem>> -> memref<1x800xi32, #tpu.memory_space<vmem>>
      %dma_start3A_617 = tpu.memref_squeeze %dma_start3A_616 : memref<1x800xi32, #tpu.memory_space<vmem>> -> memref<800xi32, #tpu.memory_space<vmem>>
      %dma_start3A_618 = arith.constant 0 : i32
      %dma_start3A_619 = arith.constant 0 : i32
      %dma_start3A_620 = tpu.memref_slice %arg3[%dma_start3A_618, %dma_start3A_619] : memref<100000x32xf32, #tpu.memory_space<hbm>> -> memref<100000x32xf32, #tpu.memory_space<hbm>>
      tpu.enqueue_indirect_dma source(%dma_start3A_620 : memref<100000x32xf32, #tpu.memory_space<hbm>>) target(%dma_start3A_614 : memref<800x32xf32, #tpu.memory_space<vmem>>) offsets(%dma_start3A_617 : memref<800xi32, #tpu.memory_space<vmem>>) semaphore(%arg11 : memref<!tpu.dma_semaphore, #tpu.memory_space<semaphore_mem>>)
      %sub3A = arith.constant 2 : i32
      %sub3A_621 = arith.subi %add3A_586, %sub3A : i32
      %dma_wait3A_622 = arith.constant 2 : i32
      %dma_wait3A_623 = arith.constant 2 : i32
      %dma_wait3A_624 = arith.constant 0 : i32
      %dma_wait3A_625 = arith.constant 0 : i32
      %dma_wait3A_626 = tpu.memref_slice %arg6[%dma_wait3A_623, %dma_wait3A_624, %dma_wait3A_625] : memref<4x800x32xf32, #tpu.memory_space<vmem>> -> memref<1x800x32xf32, #tpu.memory_space<vmem>>
      %dma_wait3A_627 = tpu.memref_squeeze %dma_wait3A_626 : memref<1x800x32xf32, #tpu.memory_space<vmem>> -> memref<800x32xf32, #tpu.memory_space<vmem>>
      %dma_wait3A_628 = arith.constant 0 : i32
      %dma_wait3A_629 = tpu.memref_slice %arg5[%dma_wait3A_622, %dma_wait3A_628] : memref<4x800xi32, #tpu.memory_space<vmem>> -> memref<1x800xi32, #tpu.memory_space<vmem>>
      %dma_wait3A_630 = tpu.memref_squeeze %dma_wait3A_629 : memref<1x800xi32, #tpu.memory_space<vmem>> -> memref<800xi32, #tpu.memory_space<vmem>>
      %dma_wait3A_631 = arith.constant 0 : i32
      %dma_wait3A_632 = arith.constant 0 : i32
      %dma_wait3A_633 = tpu.memref_slice %arg3[%dma_wait3A_631, %dma_wait3A_632] : memref<100000x32xf32, #tpu.memory_space<hbm>> -> memref<100000x32xf32, #tpu.memory_space<hbm>>
      tpu.wait_indirect_dma semaphore(%arg13 : memref<!tpu.dma_semaphore, #tpu.memory_space<semaphore_mem>>) src(%dma_wait3A_633 : memref<100000x32xf32, #tpu.memory_space<hbm>>) dst(%dma_wait3A_627 : memref<800x32xf32, #tpu.memory_space<vmem>>)
      %mul3A_634 = arith.constant 800 : i32
      %mul3A_635 = arith.muli %sub3A_621, %mul3A_634 : i32
      %add3A_636 = arith.addi %mul3A_2, %mul3A_635 : i32
      %dma_start3A_637 = arith.constant 2 : i32
      %dma_start3A_638 = arith.constant 0 : i32
      %dma_start3A_639 = arith.constant 0 : i32
      %dma_start3A_640 = tpu.memref_slice %arg6[%dma_start3A_637, %dma_start3A_638, %dma_start3A_639] : memref<4x800x32xf32, #tpu.memory_space<vmem>> -> memref<1x800x32xf32, #tpu.memory_space<vmem>>
      %dma_start3A_641 = tpu.memref_squeeze %dma_start3A_640 : memref<1x800x32xf32, #tpu.memory_space<vmem>> -> memref<800x32xf32, #tpu.memory_space<vmem>>
      %dma_start3A_642 = arith.constant 0 : i32
      %dma_start3A_643 = tpu.memref_slice %arg4[%add3A_636, %dma_start3A_642] : memref<3276800x32xf32, #tpu.memory_space<hbm>> -> memref<800x32xf32, #tpu.memory_space<hbm>>
      %dma_start3A_644 = arith.constant 0 : i32
      %dma_start3A_645 = tpu.memref_slice %arg4[%add3A_636, %dma_start3A_644] : memref<3276800x32xf32, #tpu.memory_space<hbm>> -> memref<800x32xf32, #tpu.memory_space<hbm>>
      %dma_start3A_646 = arith.constant 0 : i32
      %dma_start3A_647 = arith.constant 0 : i32
      %dma_start3A_648 = tpu.memref_slice %arg6[%dma_start3A_637, %dma_start3A_646, %dma_start3A_647] : memref<4x800x32xf32, #tpu.memory_space<vmem>> -> memref<1x800x32xf32, #tpu.memory_space<vmem>>
      %dma_start3A_649 = tpu.memref_squeeze %dma_start3A_648 : memref<1x800x32xf32, #tpu.memory_space<vmem>> -> memref<800x32xf32, #tpu.memory_space<vmem>>
      tpu.enqueue_dma source(%dma_start3A_649 : memref<800x32xf32, #tpu.memory_space<vmem>>) target(%dma_start3A_645 : memref<800x32xf32, #tpu.memory_space<hbm>>) target_semaphore(%arg17 : memref<!tpu.dma_semaphore, #tpu.memory_space<semaphore_mem>>)
      %add3A_650 = arith.constant 4 : i32
      %add3A_651 = arith.addi %sub3A_621, %add3A_650 : i32
      %mul3A_652 = arith.constant 800 : i32
      %mul3A_653 = arith.muli %add3A_651, %mul3A_652 : i32
      %add3A_654 = arith.addi %mul3A_2, %mul3A_653 : i32
      %dma_start3A_655 = arith.constant 2 : i32
      %dma_start3A_656 = arith.constant 0 : i32
      %dma_start3A_657 = tpu.memref_slice %arg5[%dma_start3A_655, %dma_start3A_656] : memref<4x800xi32, #tpu.memory_space<vmem>> -> memref<1x800xi32, #tpu.memory_space<vmem>>
      %dma_start3A_658 = tpu.memref_squeeze %dma_start3A_657 : memref<1x800xi32, #tpu.memory_space<vmem>> -> memref<800xi32, #tpu.memory_space<vmem>>
      %dma_start3A_659 = tpu.memref_slice %arg2[%add3A_654] : memref<3276800xi32, #tpu.memory_space<hbm>> -> memref<800xi32, #tpu.memory_space<hbm>>
      %dma_start3A_660 = arith.constant 0 : i32
      %dma_start3A_661 = tpu.memref_slice %arg5[%dma_start3A_655, %dma_start3A_660] : memref<4x800xi32, #tpu.memory_space<vmem>> -> memref<1x800xi32, #tpu.memory_space<vmem>>
      %dma_start3A_662 = tpu.memref_squeeze %dma_start3A_661 : memref<1x800xi32, #tpu.memory_space<vmem>> -> memref<800xi32, #tpu.memory_space<vmem>>
      %dma_start3A_663 = tpu.memref_slice %arg2[%add3A_654] : memref<3276800xi32, #tpu.memory_space<hbm>> -> memref<800xi32, #tpu.memory_space<hbm>>
      tpu.enqueue_dma source(%dma_start3A_663 : memref<800xi32, #tpu.memory_space<hbm>>) target(%dma_start3A_662 : memref<800xi32, #tpu.memory_space<vmem>>) target_semaphore(%arg9 : memref<!tpu.dma_semaphore, #tpu.memory_space<semaphore_mem>>)
      %mul3A_664 = arith.constant 4 : i32
      %mul3A_665 = arith.muli %scan3A_582, %mul3A_664 : i32
      %add3A_666 = arith.constant 1 : i32
      %add3A_667 = arith.addi %mul3A_665, %add3A_666 : i32
      %dma_wait3A_668 = arith.constant 1 : i32
      %dma_wait3A_669 = arith.constant 0 : i32
      %dma_wait3A_670 = arith.constant 0 : i32
      %dma_wait3A_671 = tpu.memref_slice %arg6[%dma_wait3A_668, %dma_wait3A_669, %dma_wait3A_670] : memref<4x800x32xf32, #tpu.memory_space<vmem>> -> memref<1x800x32xf32, #tpu.memory_space<vmem>>
      %dma_wait3A_672 = tpu.memref_squeeze %dma_wait3A_671 : memref<1x800x32xf32, #tpu.memory_space<vmem>> -> memref<800x32xf32, #tpu.memory_space<vmem>>
      %dma_wait3A_673 = arith.constant 0 : i32
      %dma_wait3A_674 = tpu.memref_slice %arg4[%mul3A_2, %dma_wait3A_673] : memref<3276800x32xf32, #tpu.memory_space<hbm>> -> memref<800x32xf32, #tpu.memory_space<hbm>>
      %dma_wait3A_675 = arith.constant 0 : i32
      %dma_wait3A_676 = tpu.memref_slice %arg4[%mul3A_2, %dma_wait3A_675] : memref<3276800x32xf32, #tpu.memory_space<hbm>> -> memref<800x32xf32, #tpu.memory_space<hbm>>
      %dma_wait3A_677 = arith.constant 0 : i32
      %dma_wait3A_678 = arith.constant 0 : i32
      %dma_wait3A_679 = tpu.memref_slice %arg6[%dma_wait3A_668, %dma_wait3A_677, %dma_wait3A_678] : memref<4x800x32xf32, #tpu.memory_space<vmem>> -> memref<1x800x32xf32, #tpu.memory_space<vmem>>
      %dma_wait3A_680 = tpu.memref_squeeze %dma_wait3A_679 : memref<1x800x32xf32, #tpu.memory_space<vmem>> -> memref<800x32xf32, #tpu.memory_space<vmem>>
      tpu.wait_dma2 semaphore(%arg16 : memref<!tpu.dma_semaphore, #tpu.memory_space<semaphore_mem>>) src(%dma_wait3A_680 : memref<800x32xf32, #tpu.memory_space<vmem>>) dst(%dma_wait3A_676 : memref<800x32xf32, #tpu.memory_space<hbm>>)
      %dma_wait3A_681 = arith.constant 1 : i32
      %dma_wait3A_682 = arith.constant 0 : i32
      %dma_wait3A_683 = tpu.memref_slice %arg5[%dma_wait3A_681, %dma_wait3A_682] : memref<4x800xi32, #tpu.memory_space<vmem>> -> memref<1x800xi32, #tpu.memory_space<vmem>>
      %dma_wait3A_684 = tpu.memref_squeeze %dma_wait3A_683 : memref<1x800xi32, #tpu.memory_space<vmem>> -> memref<800xi32, #tpu.memory_space<vmem>>
      %dma_wait3A_685 = tpu.memref_slice %arg2[%mul3A_2] : memref<3276800xi32, #tpu.memory_space<hbm>> -> memref<800xi32, #tpu.memory_space<hbm>>
      %dma_wait3A_686 = arith.constant 0 : i32
      %dma_wait3A_687 = tpu.memref_slice %arg5[%dma_wait3A_681, %dma_wait3A_686] : memref<4x800xi32, #tpu.memory_space<vmem>> -> memref<1x800xi32, #tpu.memory_space<vmem>>
      %dma_wait3A_688 = tpu.memref_squeeze %dma_wait3A_687 : memref<1x800xi32, #tpu.memory_space<vmem>> -> memref<800xi32, #tpu.memory_space<vmem>>
      %dma_wait3A_689 = tpu.memref_slice %arg2[%mul3A_2] : memref<3276800xi32, #tpu.memory_space<hbm>> -> memref<800xi32, #tpu.memory_space<hbm>>
      tpu.wait_dma2 semaphore(%arg8 : memref<!tpu.dma_semaphore, #tpu.memory_space<semaphore_mem>>) src(%dma_wait3A_689 : memref<800xi32, #tpu.memory_space<hbm>>) dst(%dma_wait3A_688 : memref<800xi32, #tpu.memory_space<vmem>>)
      %dma_start3A_690 = arith.constant 1 : i32
      %dma_start3A_691 = arith.constant 1 : i32
      %dma_start3A_692 = arith.constant 0 : i32
      %dma_start3A_693 = arith.constant 0 : i32
      %dma_start3A_694 = tpu.memref_slice %arg6[%dma_start3A_691, %dma_start3A_692, %dma_start3A_693] : memref<4x800x32xf32, #tpu.memory_space<vmem>> -> memref<1x800x32xf32, #tpu.memory_space<vmem>>
      %dma_start3A_695 = tpu.memref_squeeze %dma_start3A_694 : memref<1x800x32xf32, #tpu.memory_space<vmem>> -> memref<800x32xf32, #tpu.memory_space<vmem>>
      %dma_start3A_696 = arith.constant 0 : i32
      %dma_start3A_697 = tpu.memref_slice %arg5[%dma_start3A_690, %dma_start3A_696] : memref<4x800xi32, #tpu.memory_space<vmem>> -> memref<1x800xi32, #tpu.memory_space<vmem>>
      %dma_start3A_698 = tpu.memref_squeeze %dma_start3A_697 : memref<1x800xi32, #tpu.memory_space<vmem>> -> memref<800xi32, #tpu.memory_space<vmem>>
      %dma_start3A_699 = arith.constant 0 : i32
      %dma_start3A_700 = arith.constant 0 : i32
      %dma_start3A_701 = tpu.memref_slice %arg3[%dma_start3A_699, %dma_start3A_700] : memref<100000x32xf32, #tpu.memory_space<hbm>> -> memref<100000x32xf32, #tpu.memory_space<hbm>>
      tpu.enqueue_indirect_dma source(%dma_start3A_701 : memref<100000x32xf32, #tpu.memory_space<hbm>>) target(%dma_start3A_695 : memref<800x32xf32, #tpu.memory_space<vmem>>) offsets(%dma_start3A_698 : memref<800xi32, #tpu.memory_space<vmem>>) semaphore(%arg12 : memref<!tpu.dma_semaphore, #tpu.memory_space<semaphore_mem>>)
      %sub3A_702 = arith.constant 2 : i32
      %sub3A_703 = arith.subi %add3A_667, %sub3A_702 : i32
      %dma_wait3A_704 = arith.constant 3 : i32
      %dma_wait3A_705 = arith.constant 3 : i32
      %dma_wait3A_706 = arith.constant 0 : i32
      %dma_wait3A_707 = arith.constant 0 : i32
      %dma_wait3A_708 = tpu.memref_slice %arg6[%dma_wait3A_705, %dma_wait3A_706, %dma_wait3A_707] : memref<4x800x32xf32, #tpu.memory_space<vmem>> -> memref<1x800x32xf32, #tpu.memory_space<vmem>>
      %dma_wait3A_709 = tpu.memref_squeeze %dma_wait3A_708 : memref<1x800x32xf32, #tpu.memory_space<vmem>> -> memref<800x32xf32, #tpu.memory_space<vmem>>
      %dma_wait3A_710 = arith.constant 0 : i32
      %dma_wait3A_711 = tpu.memref_slice %arg5[%dma_wait3A_704, %dma_wait3A_710] : memref<4x800xi32, #tpu.memory_space<vmem>> -> memref<1x800xi32, #tpu.memory_space<vmem>>
      %dma_wait3A_712 = tpu.memref_squeeze %dma_wait3A_711 : memref<1x800xi32, #tpu.memory_space<vmem>> -> memref<800xi32, #tpu.memory_space<vmem>>
      %dma_wait3A_713 = arith.constant 0 : i32
      %dma_wait3A_714 = arith.constant 0 : i32
      %dma_wait3A_715 = tpu.memref_slice %arg3[%dma_wait3A_713, %dma_wait3A_714] : memref<100000x32xf32, #tpu.memory_space<hbm>> -> memref<100000x32xf32, #tpu.memory_space<hbm>>
      tpu.wait_indirect_dma semaphore(%arg14 : memref<!tpu.dma_semaphore, #tpu.memory_space<semaphore_mem>>) src(%dma_wait3A_715 : memref<100000x32xf32, #tpu.memory_space<hbm>>) dst(%dma_wait3A_709 : memref<800x32xf32, #tpu.memory_space<vmem>>)
      %mul3A_716 = arith.constant 800 : i32
      %mul3A_717 = arith.muli %sub3A_703, %mul3A_716 : i32
      %add3A_718 = arith.addi %mul3A_2, %mul3A_717 : i32
      %dma_start3A_719 = arith.constant 3 : i32
      %dma_start3A_720 = arith.constant 0 : i32
      %dma_start3A_721 = arith.constant 0 : i32
      %dma_start3A_722 = tpu.memref_slice %arg6[%dma_start3A_719, %dma_start3A_720, %dma_start3A_721] : memref<4x800x32xf32, #tpu.memory_space<vmem>> -> memref<1x800x32xf32, #tpu.memory_space<vmem>>
      %dma_start3A_723 = tpu.memref_squeeze %dma_start3A_722 : memref<1x800x32xf32, #tpu.memory_space<vmem>> -> memref<800x32xf32, #tpu.memory_space<vmem>>
      %dma_start3A_724 = arith.constant 0 : i32
      %dma_start3A_725 = tpu.memref_slice %arg4[%add3A_718, %dma_start3A_724] : memref<3276800x32xf32, #tpu.memory_space<hbm>> -> memref<800x32xf32, #tpu.memory_space<hbm>>
      %dma_start3A_726 = arith.constant 0 : i32
      %dma_start3A_727 = tpu.memref_slice %arg4[%add3A_718, %dma_start3A_726] : memref<3276800x32xf32, #tpu.memory_space<hbm>> -> memref<800x32xf32, #tpu.memory_space<hbm>>
      %dma_start3A_728 = arith.constant 0 : i32
      %dma_start3A_729 = arith.constant 0 : i32
      %dma_start3A_730 = tpu.memref_slice %arg6[%dma_start3A_719, %dma_start3A_728, %dma_start3A_729] : memref<4x800x32xf32, #tpu.memory_space<vmem>> -> memref<1x800x32xf32, #tpu.memory_space<vmem>>
      %dma_start3A_731 = tpu.memref_squeeze %dma_start3A_730 : memref<1x800x32xf32, #tpu.memory_space<vmem>> -> memref<800x32xf32, #tpu.memory_space<vmem>>
      tpu.enqueue_dma source(%dma_start3A_731 : memref<800x32xf32, #tpu.memory_space<vmem>>) target(%dma_start3A_727 : memref<800x32xf32, #tpu.memory_space<hbm>>) target_semaphore(%arg18 : memref<!tpu.dma_semaphore, #tpu.memory_space<semaphore_mem>>)
      %add3A_732 = arith.constant 4 : i32
      %add3A_733 = arith.addi %sub3A_703, %add3A_732 : i32
      %mul3A_734 = arith.constant 800 : i32
      %mul3A_735 = arith.muli %add3A_733, %mul3A_734 : i32
      %add3A_736 = arith.addi %mul3A_2, %mul3A_735 : i32
      %dma_start3A_737 = arith.constant 3 : i32
      %dma_start3A_738 = arith.constant 0 : i32
      %dma_start3A_739 = tpu.memref_slice %arg5[%dma_start3A_737, %dma_start3A_738] : memref<4x800xi32, #tpu.memory_space<vmem>> -> memref<1x800xi32, #tpu.memory_space<vmem>>
      %dma_start3A_740 = tpu.memref_squeeze %dma_start3A_739 : memref<1x800xi32, #tpu.memory_space<vmem>> -> memref<800xi32, #tpu.memory_space<vmem>>
      %dma_start3A_741 = tpu.memref_slice %arg2[%add3A_736] : memref<3276800xi32, #tpu.memory_space<hbm>> -> memref<800xi32, #tpu.memory_space<hbm>>
      %dma_start3A_742 = arith.constant 0 : i32
      %dma_start3A_743 = tpu.memref_slice %arg5[%dma_start3A_737, %dma_start3A_742] : memref<4x800xi32, #tpu.memory_space<vmem>> -> memref<1x800xi32, #tpu.memory_space<vmem>>
      %dma_start3A_744 = tpu.memref_squeeze %dma_start3A_743 : memref<1x800xi32, #tpu.memory_space<vmem>> -> memref<800xi32, #tpu.memory_space<vmem>>
      %dma_start3A_745 = tpu.memref_slice %arg2[%add3A_736] : memref<3276800xi32, #tpu.memory_space<hbm>> -> memref<800xi32, #tpu.memory_space<hbm>>
      tpu.enqueue_dma source(%dma_start3A_745 : memref<800xi32, #tpu.memory_space<hbm>>) target(%dma_start3A_744 : memref<800xi32, #tpu.memory_space<vmem>>) target_semaphore(%arg10 : memref<!tpu.dma_semaphore, #tpu.memory_space<semaphore_mem>>)
      %mul3A_746 = arith.constant 4 : i32
      %mul3A_747 = arith.muli %scan3A_582, %mul3A_746 : i32
      %add3A_748 = arith.constant 2 : i32
      %add3A_749 = arith.addi %mul3A_747, %add3A_748 : i32
      %dma_wait3A_750 = arith.constant 2 : i32
      %dma_wait3A_751 = arith.constant 0 : i32
      %dma_wait3A_752 = arith.constant 0 : i32
      %dma_wait3A_753 = tpu.memref_slice %arg6[%dma_wait3A_750, %dma_wait3A_751, %dma_wait3A_752] : memref<4x800x32xf32, #tpu.memory_space<vmem>> -> memref<1x800x32xf32, #tpu.memory_space<vmem>>
      %dma_wait3A_754 = tpu.memref_squeeze %dma_wait3A_753 : memref<1x800x32xf32, #tpu.memory_space<vmem>> -> memref<800x32xf32, #tpu.memory_space<vmem>>
      %dma_wait3A_755 = arith.constant 0 : i32
      %dma_wait3A_756 = tpu.memref_slice %arg4[%mul3A_2, %dma_wait3A_755] : memref<3276800x32xf32, #tpu.memory_space<hbm>> -> memref<800x32xf32, #tpu.memory_space<hbm>>
      %dma_wait3A_757 = arith.constant 0 : i32
      %dma_wait3A_758 = tpu.memref_slice %arg4[%mul3A_2, %dma_wait3A_757] : memref<3276800x32xf32, #tpu.memory_space<hbm>> -> memref<800x32xf32, #tpu.memory_space<hbm>>
      %dma_wait3A_759 = arith.constant 0 : i32
      %dma_wait3A_760 = arith.constant 0 : i32
      %dma_wait3A_761 = tpu.memref_slice %arg6[%dma_wait3A_750, %dma_wait3A_759, %dma_wait3A_760] : memref<4x800x32xf32, #tpu.memory_space<vmem>> -> memref<1x800x32xf32, #tpu.memory_space<vmem>>
      %dma_wait3A_762 = tpu.memref_squeeze %dma_wait3A_761 : memref<1x800x32xf32, #tpu.memory_space<vmem>> -> memref<800x32xf32, #tpu.memory_space<vmem>>
      tpu.wait_dma2 semaphore(%arg17 : memref<!tpu.dma_semaphore, #tpu.memory_space<semaphore_mem>>) src(%dma_wait3A_762 : memref<800x32xf32, #tpu.memory_space<vmem>>) dst(%dma_wait3A_758 : memref<800x32xf32, #tpu.memory_space<hbm>>)
      %dma_wait3A_763 = arith.constant 2 : i32
      %dma_wait3A_764 = arith.constant 0 : i32
      %dma_wait3A_765 = tpu.memref_slice %arg5[%dma_wait3A_763, %dma_wait3A_764] : memref<4x800xi32, #tpu.memory_space<vmem>> -> memref<1x800xi32, #tpu.memory_space<vmem>>
      %dma_wait3A_766 = tpu.memref_squeeze %dma_wait3A_765 : memref<1x800xi32, #tpu.memory_space<vmem>> -> memref<800xi32, #tpu.memory_space<vmem>>
      %dma_wait3A_767 = tpu.memref_slice %arg2[%mul3A_2] : memref<3276800xi32, #tpu.memory_space<hbm>> -> memref<800xi32, #tpu.memory_space<hbm>>
      %dma_wait3A_768 = arith.constant 0 : i32
      %dma_wait3A_769 = tpu.memref_slice %arg5[%dma_wait3A_763, %dma_wait3A_768] : memref<4x800xi32, #tpu.memory_space<vmem>> -> memref<1x800xi32, #tpu.memory_space<vmem>>
      %dma_wait3A_770 = tpu.memref_squeeze %dma_wait3A_769 : memref<1x800xi32, #tpu.memory_space<vmem>> -> memref<800xi32, #tpu.memory_space<vmem>>
      %dma_wait3A_771 = tpu.memref_slice %arg2[%mul3A_2] : memref<3276800xi32, #tpu.memory_space<hbm>> -> memref<800xi32, #tpu.memory_space<hbm>>
      tpu.wait_dma2 semaphore(%arg9 : memref<!tpu.dma_semaphore, #tpu.memory_space<semaphore_mem>>) src(%dma_wait3A_771 : memref<800xi32, #tpu.memory_space<hbm>>) dst(%dma_wait3A_770 : memref<800xi32, #tpu.memory_space<vmem>>)
      %dma_start3A_772 = arith.constant 2 : i32
      %dma_start3A_773 = arith.constant 2 : i32
      %dma_start3A_774 = arith.constant 0 : i32
      %dma_start3A_775 = arith.constant 0 : i32
      %dma_start3A_776 = tpu.memref_slice %arg6[%dma_start3A_773, %dma_start3A_774, %dma_start3A_775] : memref<4x800x32xf32, #tpu.memory_space<vmem>> -> memref<1x800x32xf32, #tpu.memory_space<vmem>>
      %dma_start3A_777 = tpu.memref_squeeze %dma_start3A_776 : memref<1x800x32xf32, #tpu.memory_space<vmem>> -> memref<800x32xf32, #tpu.memory_space<vmem>>
      %dma_start3A_778 = arith.constant 0 : i32
      %dma_start3A_779 = tpu.memref_slice %arg5[%dma_start3A_772, %dma_start3A_778] : memref<4x800xi32, #tpu.memory_space<vmem>> -> memref<1x800xi32, #tpu.memory_space<vmem>>
      %dma_start3A_780 = tpu.memref_squeeze %dma_start3A_779 : memref<1x800xi32, #tpu.memory_space<vmem>> -> memref<800xi32, #tpu.memory_space<vmem>>
      %dma_start3A_781 = arith.constant 0 : i32
      %dma_start3A_782 = arith.constant 0 : i32
      %dma_start3A_783 = tpu.memref_slice %arg3[%dma_start3A_781, %dma_start3A_782] : memref<100000x32xf32, #tpu.memory_space<hbm>> -> memref<100000x32xf32, #tpu.memory_space<hbm>>
      tpu.enqueue_indirect_dma source(%dma_start3A_783 : memref<100000x32xf32, #tpu.memory_space<hbm>>) target(%dma_start3A_777 : memref<800x32xf32, #tpu.memory_space<vmem>>) offsets(%dma_start3A_780 : memref<800xi32, #tpu.memory_space<vmem>>) semaphore(%arg13 : memref<!tpu.dma_semaphore, #tpu.memory_space<semaphore_mem>>)
      %sub3A_784 = arith.constant 2 : i32
      %sub3A_785 = arith.subi %add3A_749, %sub3A_784 : i32
      %dma_wait3A_786 = arith.constant 0 : i32
      %dma_wait3A_787 = arith.constant 0 : i32
      %dma_wait3A_788 = arith.constant 0 : i32
      %dma_wait3A_789 = arith.constant 0 : i32
      %dma_wait3A_790 = tpu.memref_slice %arg6[%dma_wait3A_787, %dma_wait3A_788, %dma_wait3A_789] : memref<4x800x32xf32, #tpu.memory_space<vmem>> -> memref<1x800x32xf32, #tpu.memory_space<vmem>>
      %dma_wait3A_791 = tpu.memref_squeeze %dma_wait3A_790 : memref<1x800x32xf32, #tpu.memory_space<vmem>> -> memref<800x32xf32, #tpu.memory_space<vmem>>
      %dma_wait3A_792 = arith.constant 0 : i32
      %dma_wait3A_793 = tpu.memref_slice %arg5[%dma_wait3A_786, %dma_wait3A_792] : memref<4x800xi32, #tpu.memory_space<vmem>> -> memref<1x800xi32, #tpu.memory_space<vmem>>
      %dma_wait3A_794 = tpu.memref_squeeze %dma_wait3A_793 : memref<1x800xi32, #tpu.memory_space<vmem>> -> memref<800xi32, #tpu.memory_space<vmem>>
      %dma_wait3A_795 = arith.constant 0 : i32
      %dma_wait3A_796 = arith.constant 0 : i32
      %dma_wait3A_797 = tpu.memref_slice %arg3[%dma_wait3A_795, %dma_wait3A_796] : memref<100000x32xf32, #tpu.memory_space<hbm>> -> memref<100000x32xf32, #tpu.memory_space<hbm>>
      tpu.wait_indirect_dma semaphore(%arg11 : memref<!tpu.dma_semaphore, #tpu.memory_space<semaphore_mem>>) src(%dma_wait3A_797 : memref<100000x32xf32, #tpu.memory_space<hbm>>) dst(%dma_wait3A_791 : memref<800x32xf32, #tpu.memory_space<vmem>>)
      %mul3A_798 = arith.constant 800 : i32
      %mul3A_799 = arith.muli %sub3A_785, %mul3A_798 : i32
      %add3A_800 = arith.addi %mul3A_2, %mul3A_799 : i32
      %dma_start3A_801 = arith.constant 0 : i32
      %dma_start3A_802 = arith.constant 0 : i32
      %dma_start3A_803 = arith.constant 0 : i32
      %dma_start3A_804 = tpu.memref_slice %arg6[%dma_start3A_801, %dma_start3A_802, %dma_start3A_803] : memref<4x800x32xf32, #tpu.memory_space<vmem>> -> memref<1x800x32xf32, #tpu.memory_space<vmem>>
      %dma_start3A_805 = tpu.memref_squeeze %dma_start3A_804 : memref<1x800x32xf32, #tpu.memory_space<vmem>> -> memref<800x32xf32, #tpu.memory_space<vmem>>
      %dma_start3A_806 = arith.constant 0 : i32
      %dma_start3A_807 = tpu.memref_slice %arg4[%add3A_800, %dma_start3A_806] : memref<3276800x32xf32, #tpu.memory_space<hbm>> -> memref<800x32xf32, #tpu.memory_space<hbm>>
      %dma_start3A_808 = arith.constant 0 : i32
      %dma_start3A_809 = tpu.memref_slice %arg4[%add3A_800, %dma_start3A_808] : memref<3276800x32xf32, #tpu.memory_space<hbm>> -> memref<800x32xf32, #tpu.memory_space<hbm>>
      %dma_start3A_810 = arith.constant 0 : i32
      %dma_start3A_811 = arith.constant 0 : i32
      %dma_start3A_812 = tpu.memref_slice %arg6[%dma_start3A_801, %dma_start3A_810, %dma_start3A_811] : memref<4x800x32xf32, #tpu.memory_space<vmem>> -> memref<1x800x32xf32, #tpu.memory_space<vmem>>
      %dma_start3A_813 = tpu.memref_squeeze %dma_start3A_812 : memref<1x800x32xf32, #tpu.memory_space<vmem>> -> memref<800x32xf32, #tpu.memory_space<vmem>>
      tpu.enqueue_dma source(%dma_start3A_813 : memref<800x32xf32, #tpu.memory_space<vmem>>) target(%dma_start3A_809 : memref<800x32xf32, #tpu.memory_space<hbm>>) target_semaphore(%arg15 : memref<!tpu.dma_semaphore, #tpu.memory_space<semaphore_mem>>)
      %add3A_814 = arith.constant 4 : i32
      %add3A_815 = arith.addi %sub3A_785, %add3A_814 : i32
      %mul3A_816 = arith.constant 800 : i32
      %mul3A_817 = arith.muli %add3A_815, %mul3A_816 : i32
      %add3A_818 = arith.addi %mul3A_2, %mul3A_817 : i32
      %dma_start3A_819 = arith.constant 0 : i32
      %dma_start3A_820 = arith.constant 0 : i32
      %dma_start3A_821 = tpu.memref_slice %arg5[%dma_start3A_819, %dma_start3A_820] : memref<4x800xi32, #tpu.memory_space<vmem>> -> memref<1x800xi32, #tpu.memory_space<vmem>>
      %dma_start3A_822 = tpu.memref_squeeze %dma_start3A_821 : memref<1x800xi32, #tpu.memory_space<vmem>> -> memref<800xi32, #tpu.memory_space<vmem>>
      %dma_start3A_823 = tpu.memref_slice %arg2[%add3A_818] : memref<3276800xi32, #tpu.memory_space<hbm>> -> memref<800xi32, #tpu.memory_space<hbm>>
      %dma_start3A_824 = arith.constant 0 : i32
      %dma_start3A_825 = tpu.memref_slice %arg5[%dma_start3A_819, %dma_start3A_824] : memref<4x800xi32, #tpu.memory_space<vmem>> -> memref<1x800xi32, #tpu.memory_space<vmem>>
      %dma_start3A_826 = tpu.memref_squeeze %dma_start3A_825 : memref<1x800xi32, #tpu.memory_space<vmem>> -> memref<800xi32, #tpu.memory_space<vmem>>
      %dma_start3A_827 = tpu.memref_slice %arg2[%add3A_818] : memref<3276800xi32, #tpu.memory_space<hbm>> -> memref<800xi32, #tpu.memory_space<hbm>>
      tpu.enqueue_dma source(%dma_start3A_827 : memref<800xi32, #tpu.memory_space<hbm>>) target(%dma_start3A_826 : memref<800xi32, #tpu.memory_space<vmem>>) target_semaphore(%arg7 : memref<!tpu.dma_semaphore, #tpu.memory_space<semaphore_mem>>)
      %mul3A_828 = arith.constant 4 : i32
      %mul3A_829 = arith.muli %scan3A_582, %mul3A_828 : i32
      %add3A_830 = arith.constant 3 : i32
      %add3A_831 = arith.addi %mul3A_829, %add3A_830 : i32
      %dma_wait3A_832 = arith.constant 3 : i32
      %dma_wait3A_833 = arith.constant 0 : i32
      %dma_wait3A_834 = arith.constant 0 : i32
      %dma_wait3A_835 = tpu.memref_slice %arg6[%dma_wait3A_832, %dma_wait3A_833, %dma_wait3A_834] : memref<4x800x32xf32, #tpu.memory_space<vmem>> -> memref<1x800x32xf32, #tpu.memory_space<vmem>>
      %dma_wait3A_836 = tpu.memref_squeeze %dma_wait3A_835 : memref<1x800x32xf32, #tpu.memory_space<vmem>> -> memref<800x32xf32, #tpu.memory_space<vmem>>
      %dma_wait3A_837 = arith.constant 0 : i32
      %dma_wait3A_838 = tpu.memref_slice %arg4[%mul3A_2, %dma_wait3A_837] : memref<3276800x32xf32, #tpu.memory_space<hbm>> -> memref<800x32xf32, #tpu.memory_space<hbm>>
      %dma_wait3A_839 = arith.constant 0 : i32
      %dma_wait3A_840 = tpu.memref_slice %arg4[%mul3A_2, %dma_wait3A_839] : memref<3276800x32xf32, #tpu.memory_space<hbm>> -> memref<800x32xf32, #tpu.memory_space<hbm>>
      %dma_wait3A_841 = arith.constant 0 : i32
      %dma_wait3A_842 = arith.constant 0 : i32
      %dma_wait3A_843 = tpu.memref_slice %arg6[%dma_wait3A_832, %dma_wait3A_841, %dma_wait3A_842] : memref<4x800x32xf32, #tpu.memory_space<vmem>> -> memref<1x800x32xf32, #tpu.memory_space<vmem>>
      %dma_wait3A_844 = tpu.memref_squeeze %dma_wait3A_843 : memref<1x800x32xf32, #tpu.memory_space<vmem>> -> memref<800x32xf32, #tpu.memory_space<vmem>>
      tpu.wait_dma2 semaphore(%arg18 : memref<!tpu.dma_semaphore, #tpu.memory_space<semaphore_mem>>) src(%dma_wait3A_844 : memref<800x32xf32, #tpu.memory_space<vmem>>) dst(%dma_wait3A_840 : memref<800x32xf32, #tpu.memory_space<hbm>>)
      %dma_wait3A_845 = arith.constant 3 : i32
      %dma_wait3A_846 = arith.constant 0 : i32
      %dma_wait3A_847 = tpu.memref_slice %arg5[%dma_wait3A_845, %dma_wait3A_846] : memref<4x800xi32, #tpu.memory_space<vmem>> -> memref<1x800xi32, #tpu.memory_space<vmem>>
      %dma_wait3A_848 = tpu.memref_squeeze %dma_wait3A_847 : memref<1x800xi32, #tpu.memory_space<vmem>> -> memref<800xi32, #tpu.memory_space<vmem>>
      %dma_wait3A_849 = tpu.memref_slice %arg2[%mul3A_2] : memref<3276800xi32, #tpu.memory_space<hbm>> -> memref<800xi32, #tpu.memory_space<hbm>>
      %dma_wait3A_850 = arith.constant 0 : i32
      %dma_wait3A_851 = tpu.memref_slice %arg5[%dma_wait3A_845, %dma_wait3A_850] : memref<4x800xi32, #tpu.memory_space<vmem>> -> memref<1x800xi32, #tpu.memory_space<vmem>>
      %dma_wait3A_852 = tpu.memref_squeeze %dma_wait3A_851 : memref<1x800xi32, #tpu.memory_space<vmem>> -> memref<800xi32, #tpu.memory_space<vmem>>
      %dma_wait3A_853 = tpu.memref_slice %arg2[%mul3A_2] : memref<3276800xi32, #tpu.memory_space<hbm>> -> memref<800xi32, #tpu.memory_space<hbm>>
      tpu.wait_dma2 semaphore(%arg10 : memref<!tpu.dma_semaphore, #tpu.memory_space<semaphore_mem>>) src(%dma_wait3A_853 : memref<800xi32, #tpu.memory_space<hbm>>) dst(%dma_wait3A_852 : memref<800xi32, #tpu.memory_space<vmem>>)
      %dma_start3A_854 = arith.constant 3 : i32
      %dma_start3A_855 = arith.constant 3 : i32
      %dma_start3A_856 = arith.constant 0 : i32
      %dma_start3A_857 = arith.constant 0 : i32
      %dma_start3A_858 = tpu.memref_slice %arg6[%dma_start3A_855, %dma_start3A_856, %dma_start3A_857] : memref<4x800x32xf32, #tpu.memory_space<vmem>> -> memref<1x800x32xf32, #tpu.memory_space<vmem>>
      %dma_start3A_859 = tpu.memref_squeeze %dma_start3A_858 : memref<1x800x32xf32, #tpu.memory_space<vmem>> -> memref<800x32xf32, #tpu.memory_space<vmem>>
      %dma_start3A_860 = arith.constant 0 : i32
      %dma_start3A_861 = tpu.memref_slice %arg5[%dma_start3A_854, %dma_start3A_860] : memref<4x800xi32, #tpu.memory_space<vmem>> -> memref<1x800xi32, #tpu.memory_space<vmem>>
      %dma_start3A_862 = tpu.memref_squeeze %dma_start3A_861 : memref<1x800xi32, #tpu.memory_space<vmem>> -> memref<800xi32, #tpu.memory_space<vmem>>
      %dma_start3A_863 = arith.constant 0 : i32
      %dma_start3A_864 = arith.constant 0 : i32
      %dma_start3A_865 = tpu.memref_slice %arg3[%dma_start3A_863, %dma_start3A_864] : memref<100000x32xf32, #tpu.memory_space<hbm>> -> memref<100000x32xf32, #tpu.memory_space<hbm>>
      tpu.enqueue_indirect_dma source(%dma_start3A_865 : memref<100000x32xf32, #tpu.memory_space<hbm>>) target(%dma_start3A_859 : memref<800x32xf32, #tpu.memory_space<vmem>>) offsets(%dma_start3A_862 : memref<800xi32, #tpu.memory_space<vmem>>) semaphore(%arg14 : memref<!tpu.dma_semaphore, #tpu.memory_space<semaphore_mem>>)
      %sub3A_866 = arith.constant 2 : i32
      %sub3A_867 = arith.subi %add3A_831, %sub3A_866 : i32
      %dma_wait3A_868 = arith.constant 1 : i32
      %dma_wait3A_869 = arith.constant 1 : i32
      %dma_wait3A_870 = arith.constant 0 : i32
      %dma_wait3A_871 = arith.constant 0 : i32
      %dma_wait3A_872 = tpu.memref_slice %arg6[%dma_wait3A_869, %dma_wait3A_870, %dma_wait3A_871] : memref<4x800x32xf32, #tpu.memory_space<vmem>> -> memref<1x800x32xf32, #tpu.memory_space<vmem>>
      %dma_wait3A_873 = tpu.memref_squeeze %dma_wait3A_872 : memref<1x800x32xf32, #tpu.memory_space<vmem>> -> memref<800x32xf32, #tpu.memory_space<vmem>>
      %dma_wait3A_874 = arith.constant 0 : i32
      %dma_wait3A_875 = tpu.memref_slice %arg5[%dma_wait3A_868, %dma_wait3A_874] : memref<4x800xi32, #tpu.memory_space<vmem>> -> memref<1x800xi32, #tpu.memory_space<vmem>>
      %dma_wait3A_876 = tpu.memref_squeeze %dma_wait3A_875 : memref<1x800xi32, #tpu.memory_space<vmem>> -> memref<800xi32, #tpu.memory_space<vmem>>
      %dma_wait3A_877 = arith.constant 0 : i32
      %dma_wait3A_878 = arith.constant 0 : i32
      %dma_wait3A_879 = tpu.memref_slice %arg3[%dma_wait3A_877, %dma_wait3A_878] : memref<100000x32xf32, #tpu.memory_space<hbm>> -> memref<100000x32xf32, #tpu.memory_space<hbm>>
      tpu.wait_indirect_dma semaphore(%arg12 : memref<!tpu.dma_semaphore, #tpu.memory_space<semaphore_mem>>) src(%dma_wait3A_879 : memref<100000x32xf32, #tpu.memory_space<hbm>>) dst(%dma_wait3A_873 : memref<800x32xf32, #tpu.memory_space<vmem>>)
      %mul3A_880 = arith.constant 800 : i32
      %mul3A_881 = arith.muli %sub3A_867, %mul3A_880 : i32
      %add3A_882 = arith.addi %mul3A_2, %mul3A_881 : i32
      %dma_start3A_883 = arith.constant 1 : i32
      %dma_start3A_884 = arith.constant 0 : i32
      %dma_start3A_885 = arith.constant 0 : i32
      %dma_start3A_886 = tpu.memref_slice %arg6[%dma_start3A_883, %dma_start3A_884, %dma_start3A_885] : memref<4x800x32xf32, #tpu.memory_space<vmem>> -> memref<1x800x32xf32, #tpu.memory_space<vmem>>
      %dma_start3A_887 = tpu.memref_squeeze %dma_start3A_886 : memref<1x800x32xf32, #tpu.memory_space<vmem>> -> memref<800x32xf32, #tpu.memory_space<vmem>>
      %dma_start3A_888 = arith.constant 0 : i32
      %dma_start3A_889 = tpu.memref_slice %arg4[%add3A_882, %dma_start3A_888] : memref<3276800x32xf32, #tpu.memory_space<hbm>> -> memref<800x32xf32, #tpu.memory_space<hbm>>
      %dma_start3A_890 = arith.constant 0 : i32
      %dma_start3A_891 = tpu.memref_slice %arg4[%add3A_882, %dma_start3A_890] : memref<3276800x32xf32, #tpu.memory_space<hbm>> -> memref<800x32xf32, #tpu.memory_space<hbm>>
      %dma_start3A_892 = arith.constant 0 : i32
      %dma_start3A_893 = arith.constant 0 : i32
      %dma_start3A_894 = tpu.memref_slice %arg6[%dma_start3A_883, %dma_start3A_892, %dma_start3A_893] : memref<4x800x32xf32, #tpu.memory_space<vmem>> -> memref<1x800x32xf32, #tpu.memory_space<vmem>>
      %dma_start3A_895 = tpu.memref_squeeze %dma_start3A_894 : memref<1x800x32xf32, #tpu.memory_space<vmem>> -> memref<800x32xf32, #tpu.memory_space<vmem>>
      tpu.enqueue_dma source(%dma_start3A_895 : memref<800x32xf32, #tpu.memory_space<vmem>>) target(%dma_start3A_891 : memref<800x32xf32, #tpu.memory_space<hbm>>) target_semaphore(%arg16 : memref<!tpu.dma_semaphore, #tpu.memory_space<semaphore_mem>>)
      %add3A_896 = arith.constant 4 : i32
      %add3A_897 = arith.addi %sub3A_867, %add3A_896 : i32
      %mul3A_898 = arith.constant 800 : i32
      %mul3A_899 = arith.muli %add3A_897, %mul3A_898 : i32
      %add3A_900 = arith.addi %mul3A_2, %mul3A_899 : i32
      %dma_start3A_901 = arith.constant 1 : i32
      %dma_start3A_902 = arith.constant 0 : i32
      %dma_start3A_903 = tpu.memref_slice %arg5[%dma_start3A_901, %dma_start3A_902] : memref<4x800xi32, #tpu.memory_space<vmem>> -> memref<1x800xi32, #tpu.memory_space<vmem>>
      %dma_start3A_904 = tpu.memref_squeeze %dma_start3A_903 : memref<1x800xi32, #tpu.memory_space<vmem>> -> memref<800xi32, #tpu.memory_space<vmem>>
      %dma_start3A_905 = tpu.memref_slice %arg2[%add3A_900] : memref<3276800xi32, #tpu.memory_space<hbm>> -> memref<800xi32, #tpu.memory_space<hbm>>
      %dma_start3A_906 = arith.constant 0 : i32
      %dma_start3A_907 = tpu.memref_slice %arg5[%dma_start3A_901, %dma_start3A_906] : memref<4x800xi32, #tpu.memory_space<vmem>> -> memref<1x800xi32, #tpu.memory_space<vmem>>
      %dma_start3A_908 = tpu.memref_squeeze %dma_start3A_907 : memref<1x800xi32, #tpu.memory_space<vmem>> -> memref<800xi32, #tpu.memory_space<vmem>>
      %dma_start3A_909 = tpu.memref_slice %arg2[%add3A_900] : memref<3276800xi32, #tpu.memory_space<hbm>> -> memref<800xi32, #tpu.memory_space<hbm>>
      tpu.enqueue_dma source(%dma_start3A_909 : memref<800xi32, #tpu.memory_space<hbm>>) target(%dma_start3A_908 : memref<800xi32, #tpu.memory_space<vmem>>) target_semaphore(%arg8 : memref<!tpu.dma_semaphore, #tpu.memory_space<semaphore_mem>>)
    }
    %scan3A_209 = arith.constant 30 : i32
    %dma_wait3A_210 = arith.constant 0 : i32
    %dma_wait3A_211 = arith.constant 0 : i32
    %dma_wait3A_212 = arith.constant 0 : i32
    %dma_wait3A_213 = tpu.memref_slice %arg6[%dma_wait3A_210, %dma_wait3A_211, %dma_wait3A_212] : memref<4x800x32xf32, #tpu.memory_space<vmem>> -> memref<1x800x32xf32, #tpu.memory_space<vmem>>
    %dma_wait3A_214 = tpu.memref_squeeze %dma_wait3A_213 : memref<1x800x32xf32, #tpu.memory_space<vmem>> -> memref<800x32xf32, #tpu.memory_space<vmem>>
    %dma_wait3A_215 = arith.constant 0 : i32
    %dma_wait3A_216 = tpu.memref_slice %arg4[%mul3A_2, %dma_wait3A_215] : memref<3276800x32xf32, #tpu.memory_space<hbm>> -> memref<800x32xf32, #tpu.memory_space<hbm>>
    %dma_wait3A_217 = arith.constant 0 : i32
    %dma_wait3A_218 = tpu.memref_slice %arg4[%mul3A_2, %dma_wait3A_217] : memref<3276800x32xf32, #tpu.memory_space<hbm>> -> memref<800x32xf32, #tpu.memory_space<hbm>>
    %dma_wait3A_219 = arith.constant 0 : i32
    %dma_wait3A_220 = arith.constant 0 : i32
    %dma_wait3A_221 = tpu.memref_slice %arg6[%dma_wait3A_210, %dma_wait3A_219, %dma_wait3A_220] : memref<4x800x32xf32, #tpu.memory_space<vmem>> -> memref<1x800x32xf32, #tpu.memory_space<vmem>>
    %dma_wait3A_222 = tpu.memref_squeeze %dma_wait3A_221 : memref<1x800x32xf32, #tpu.memory_space<vmem>> -> memref<800x32xf32, #tpu.memory_space<vmem>>
    tpu.wait_dma2 semaphore(%arg15 : memref<!tpu.dma_semaphore, #tpu.memory_space<semaphore_mem>>) src(%dma_wait3A_222 : memref<800x32xf32, #tpu.memory_space<vmem>>) dst(%dma_wait3A_218 : memref<800x32xf32, #tpu.memory_space<hbm>>)
    %dma_wait3A_223 = arith.constant 0 : i32
    %dma_wait3A_224 = arith.constant 0 : i32
    %dma_wait3A_225 = tpu.memref_slice %arg5[%dma_wait3A_223, %dma_wait3A_224] : memref<4x800xi32, #tpu.memory_space<vmem>> -> memref<1x800xi32, #tpu.memory_space<vmem>>
    %dma_wait3A_226 = tpu.memref_squeeze %dma_wait3A_225 : memref<1x800xi32, #tpu.memory_space<vmem>> -> memref<800xi32, #tpu.memory_space<vmem>>
    %dma_wait3A_227 = tpu.memref_slice %arg2[%mul3A_2] : memref<3276800xi32, #tpu.memory_space<hbm>> -> memref<800xi32, #tpu.memory_space<hbm>>
    %dma_wait3A_228 = arith.constant 0 : i32
    %dma_wait3A_229 = tpu.memref_slice %arg5[%dma_wait3A_223, %dma_wait3A_228] : memref<4x800xi32, #tpu.memory_space<vmem>> -> memref<1x800xi32, #tpu.memory_space<vmem>>
    %dma_wait3A_230 = tpu.memref_squeeze %dma_wait3A_229 : memref<1x800xi32, #tpu.memory_space<vmem>> -> memref<800xi32, #tpu.memory_space<vmem>>
    %dma_wait3A_231 = tpu.memref_slice %arg2[%mul3A_2] : memref<3276800xi32, #tpu.memory_space<hbm>> -> memref<800xi32, #tpu.memory_space<hbm>>
    tpu.wait_dma2 semaphore(%arg7 : memref<!tpu.dma_semaphore, #tpu.memory_space<semaphore_mem>>) src(%dma_wait3A_231 : memref<800xi32, #tpu.memory_space<hbm>>) dst(%dma_wait3A_230 : memref<800xi32, #tpu.memory_space<vmem>>)
    %dma_start3A_232 = arith.constant 0 : i32
    %dma_start3A_233 = arith.constant 0 : i32
    %dma_start3A_234 = arith.constant 0 : i32
    %dma_start3A_235 = arith.constant 0 : i32
    %dma_start3A_236 = tpu.memref_slice %arg6[%dma_start3A_233, %dma_start3A_234, %dma_start3A_235] : memref<4x800x32xf32, #tpu.memory_space<vmem>> -> memref<1x800x32xf32, #tpu.memory_space<vmem>>
    %dma_start3A_237 = tpu.memref_squeeze %dma_start3A_236 : memref<1x800x32xf32, #tpu.memory_space<vmem>> -> memref<800x32xf32, #tpu.memory_space<vmem>>
    %dma_start3A_238 = arith.constant 0 : i32
    %dma_start3A_239 = tpu.memref_slice %arg5[%dma_start3A_232, %dma_start3A_238] : memref<4x800xi32, #tpu.memory_space<vmem>> -> memref<1x800xi32, #tpu.memory_space<vmem>>
    %dma_start3A_240 = tpu.memref_squeeze %dma_start3A_239 : memref<1x800xi32, #tpu.memory_space<vmem>> -> memref<800xi32, #tpu.memory_space<vmem>>
    %dma_start3A_241 = arith.constant 0 : i32
    %dma_start3A_242 = arith.constant 0 : i32
    %dma_start3A_243 = tpu.memref_slice %arg3[%dma_start3A_241, %dma_start3A_242] : memref<100000x32xf32, #tpu.memory_space<hbm>> -> memref<100000x32xf32, #tpu.memory_space<hbm>>
    tpu.enqueue_indirect_dma source(%dma_start3A_243 : memref<100000x32xf32, #tpu.memory_space<hbm>>) target(%dma_start3A_237 : memref<800x32xf32, #tpu.memory_space<vmem>>) offsets(%dma_start3A_240 : memref<800xi32, #tpu.memory_space<vmem>>) semaphore(%arg11 : memref<!tpu.dma_semaphore, #tpu.memory_space<semaphore_mem>>)
    %dma_wait3A_244 = arith.constant 2 : i32
    %dma_wait3A_245 = arith.constant 2 : i32
    %dma_wait3A_246 = arith.constant 0 : i32
    %dma_wait3A_247 = arith.constant 0 : i32
    %dma_wait3A_248 = tpu.memref_slice %arg6[%dma_wait3A_245, %dma_wait3A_246, %dma_wait3A_247] : memref<4x800x32xf32, #tpu.memory_space<vmem>> -> memref<1x800x32xf32, #tpu.memory_space<vmem>>
    %dma_wait3A_249 = tpu.memref_squeeze %dma_wait3A_248 : memref<1x800x32xf32, #tpu.memory_space<vmem>> -> memref<800x32xf32, #tpu.memory_space<vmem>>
    %dma_wait3A_250 = arith.constant 0 : i32
    %dma_wait3A_251 = tpu.memref_slice %arg5[%dma_wait3A_244, %dma_wait3A_250] : memref<4x800xi32, #tpu.memory_space<vmem>> -> memref<1x800xi32, #tpu.memory_space<vmem>>
    %dma_wait3A_252 = tpu.memref_squeeze %dma_wait3A_251 : memref<1x800xi32, #tpu.memory_space<vmem>> -> memref<800xi32, #tpu.memory_space<vmem>>
    %dma_wait3A_253 = arith.constant 0 : i32
    %dma_wait3A_254 = arith.constant 0 : i32
    %dma_wait3A_255 = tpu.memref_slice %arg3[%dma_wait3A_253, %dma_wait3A_254] : memref<100000x32xf32, #tpu.memory_space<hbm>> -> memref<100000x32xf32, #tpu.memory_space<hbm>>
    tpu.wait_indirect_dma semaphore(%arg13 : memref<!tpu.dma_semaphore, #tpu.memory_space<semaphore_mem>>) src(%dma_wait3A_255 : memref<100000x32xf32, #tpu.memory_space<hbm>>) dst(%dma_wait3A_249 : memref<800x32xf32, #tpu.memory_space<vmem>>)
    %add3A_256 = arith.constant 97600 : i32
    %add3A_257 = arith.addi %mul3A_2, %add3A_256 : i32
    %dma_start3A_258 = arith.constant 2 : i32
    %dma_start3A_259 = arith.constant 0 : i32
    %dma_start3A_260 = arith.constant 0 : i32
    %dma_start3A_261 = tpu.memref_slice %arg6[%dma_start3A_258, %dma_start3A_259, %dma_start3A_260] : memref<4x800x32xf32, #tpu.memory_space<vmem>> -> memref<1x800x32xf32, #tpu.memory_space<vmem>>
    %dma_start3A_262 = tpu.memref_squeeze %dma_start3A_261 : memref<1x800x32xf32, #tpu.memory_space<vmem>> -> memref<800x32xf32, #tpu.memory_space<vmem>>
    %dma_start3A_263 = arith.constant 0 : i32
    %dma_start3A_264 = tpu.memref_slice %arg4[%add3A_257, %dma_start3A_263] : memref<3276800x32xf32, #tpu.memory_space<hbm>> -> memref<800x32xf32, #tpu.memory_space<hbm>>
    %dma_start3A_265 = arith.constant 0 : i32
    %dma_start3A_266 = tpu.memref_slice %arg4[%add3A_257, %dma_start3A_265] : memref<3276800x32xf32, #tpu.memory_space<hbm>> -> memref<800x32xf32, #tpu.memory_space<hbm>>
    %dma_start3A_267 = arith.constant 0 : i32
    %dma_start3A_268 = arith.constant 0 : i32
    %dma_start3A_269 = tpu.memref_slice %arg6[%dma_start3A_258, %dma_start3A_267, %dma_start3A_268] : memref<4x800x32xf32, #tpu.memory_space<vmem>> -> memref<1x800x32xf32, #tpu.memory_space<vmem>>
    %dma_start3A_270 = tpu.memref_squeeze %dma_start3A_269 : memref<1x800x32xf32, #tpu.memory_space<vmem>> -> memref<800x32xf32, #tpu.memory_space<vmem>>
    tpu.enqueue_dma source(%dma_start3A_270 : memref<800x32xf32, #tpu.memory_space<vmem>>) target(%dma_start3A_266 : memref<800x32xf32, #tpu.memory_space<hbm>>) target_semaphore(%arg17 : memref<!tpu.dma_semaphore, #tpu.memory_space<semaphore_mem>>)
    %add3A_271 = arith.constant 100800 : i32
    %add3A_272 = arith.addi %mul3A_2, %add3A_271 : i32
    %dma_start3A_273 = arith.constant 2 : i32
    %dma_start3A_274 = arith.constant 0 : i32
    %dma_start3A_275 = tpu.memref_slice %arg5[%dma_start3A_273, %dma_start3A_274] : memref<4x800xi32, #tpu.memory_space<vmem>> -> memref<1x800xi32, #tpu.memory_space<vmem>>
    %dma_start3A_276 = tpu.memref_squeeze %dma_start3A_275 : memref<1x800xi32, #tpu.memory_space<vmem>> -> memref<800xi32, #tpu.memory_space<vmem>>
    %dma_start3A_277 = tpu.memref_slice %arg2[%add3A_272] : memref<3276800xi32, #tpu.memory_space<hbm>> -> memref<800xi32, #tpu.memory_space<hbm>>
    %dma_start3A_278 = arith.constant 0 : i32
    %dma_start3A_279 = tpu.memref_slice %arg5[%dma_start3A_273, %dma_start3A_278] : memref<4x800xi32, #tpu.memory_space<vmem>> -> memref<1x800xi32, #tpu.memory_space<vmem>>
    %dma_start3A_280 = tpu.memref_squeeze %dma_start3A_279 : memref<1x800xi32, #tpu.memory_space<vmem>> -> memref<800xi32, #tpu.memory_space<vmem>>
    %dma_start3A_281 = tpu.memref_slice %arg2[%add3A_272] : memref<3276800xi32, #tpu.memory_space<hbm>> -> memref<800xi32, #tpu.memory_space<hbm>>
    tpu.enqueue_dma source(%dma_start3A_281 : memref<800xi32, #tpu.memory_space<hbm>>) target(%dma_start3A_280 : memref<800xi32, #tpu.memory_space<vmem>>) target_semaphore(%arg9 : memref<!tpu.dma_semaphore, #tpu.memory_space<semaphore_mem>>)
    %dma_wait3A_282 = arith.constant 1 : i32
    %dma_wait3A_283 = arith.constant 0 : i32
    %dma_wait3A_284 = arith.constant 0 : i32
    %dma_wait3A_285 = tpu.memref_slice %arg6[%dma_wait3A_282, %dma_wait3A_283, %dma_wait3A_284] : memref<4x800x32xf32, #tpu.memory_space<vmem>> -> memref<1x800x32xf32, #tpu.memory_space<vmem>>
    %dma_wait3A_286 = tpu.memref_squeeze %dma_wait3A_285 : memref<1x800x32xf32, #tpu.memory_space<vmem>> -> memref<800x32xf32, #tpu.memory_space<vmem>>
    %dma_wait3A_287 = arith.constant 0 : i32
    %dma_wait3A_288 = tpu.memref_slice %arg4[%mul3A_2, %dma_wait3A_287] : memref<3276800x32xf32, #tpu.memory_space<hbm>> -> memref<800x32xf32, #tpu.memory_space<hbm>>
    %dma_wait3A_289 = arith.constant 0 : i32
    %dma_wait3A_290 = tpu.memref_slice %arg4[%mul3A_2, %dma_wait3A_289] : memref<3276800x32xf32, #tpu.memory_space<hbm>> -> memref<800x32xf32, #tpu.memory_space<hbm>>
    %dma_wait3A_291 = arith.constant 0 : i32
    %dma_wait3A_292 = arith.constant 0 : i32
    %dma_wait3A_293 = tpu.memref_slice %arg6[%dma_wait3A_282, %dma_wait3A_291, %dma_wait3A_292] : memref<4x800x32xf32, #tpu.memory_space<vmem>> -> memref<1x800x32xf32, #tpu.memory_space<vmem>>
    %dma_wait3A_294 = tpu.memref_squeeze %dma_wait3A_293 : memref<1x800x32xf32, #tpu.memory_space<vmem>> -> memref<800x32xf32, #tpu.memory_space<vmem>>
    tpu.wait_dma2 semaphore(%arg16 : memref<!tpu.dma_semaphore, #tpu.memory_space<semaphore_mem>>) src(%dma_wait3A_294 : memref<800x32xf32, #tpu.memory_space<vmem>>) dst(%dma_wait3A_290 : memref<800x32xf32, #tpu.memory_space<hbm>>)
    %dma_wait3A_295 = arith.constant 1 : i32
    %dma_wait3A_296 = arith.constant 0 : i32
    %dma_wait3A_297 = tpu.memref_slice %arg5[%dma_wait3A_295, %dma_wait3A_296] : memref<4x800xi32, #tpu.memory_space<vmem>> -> memref<1x800xi32, #tpu.memory_space<vmem>>
    %dma_wait3A_298 = tpu.memref_squeeze %dma_wait3A_297 : memref<1x800xi32, #tpu.memory_space<vmem>> -> memref<800xi32, #tpu.memory_space<vmem>>
    %dma_wait3A_299 = tpu.memref_slice %arg2[%mul3A_2] : memref<3276800xi32, #tpu.memory_space<hbm>> -> memref<800xi32, #tpu.memory_space<hbm>>
    %dma_wait3A_300 = arith.constant 0 : i32
    %dma_wait3A_301 = tpu.memref_slice %arg5[%dma_wait3A_295, %dma_wait3A_300] : memref<4x800xi32, #tpu.memory_space<vmem>> -> memref<1x800xi32, #tpu.memory_space<vmem>>
    %dma_wait3A_302 = tpu.memref_squeeze %dma_wait3A_301 : memref<1x800xi32, #tpu.memory_space<vmem>> -> memref<800xi32, #tpu.memory_space<vmem>>
    %dma_wait3A_303 = tpu.memref_slice %arg2[%mul3A_2] : memref<3276800xi32, #tpu.memory_space<hbm>> -> memref<800xi32, #tpu.memory_space<hbm>>
    tpu.wait_dma2 semaphore(%arg8 : memref<!tpu.dma_semaphore, #tpu.memory_space<semaphore_mem>>) src(%dma_wait3A_303 : memref<800xi32, #tpu.memory_space<hbm>>) dst(%dma_wait3A_302 : memref<800xi32, #tpu.memory_space<vmem>>)
    %dma_start3A_304 = arith.constant 1 : i32
    %dma_start3A_305 = arith.constant 1 : i32
    %dma_start3A_306 = arith.constant 0 : i32
    %dma_start3A_307 = arith.constant 0 : i32
    %dma_start3A_308 = tpu.memref_slice %arg6[%dma_start3A_305, %dma_start3A_306, %dma_start3A_307] : memref<4x800x32xf32, #tpu.memory_space<vmem>> -> memref<1x800x32xf32, #tpu.memory_space<vmem>>
    %dma_start3A_309 = tpu.memref_squeeze %dma_start3A_308 : memref<1x800x32xf32, #tpu.memory_space<vmem>> -> memref<800x32xf32, #tpu.memory_space<vmem>>
    %dma_start3A_310 = arith.constant 0 : i32
    %dma_start3A_311 = tpu.memref_slice %arg5[%dma_start3A_304, %dma_start3A_310] : memref<4x800xi32, #tpu.memory_space<vmem>> -> memref<1x800xi32, #tpu.memory_space<vmem>>
    %dma_start3A_312 = tpu.memref_squeeze %dma_start3A_311 : memref<1x800xi32, #tpu.memory_space<vmem>> -> memref<800xi32, #tpu.memory_space<vmem>>
    %dma_start3A_313 = arith.constant 0 : i32
    %dma_start3A_314 = arith.constant 0 : i32
    %dma_start3A_315 = tpu.memref_slice %arg3[%dma_start3A_313, %dma_start3A_314] : memref<100000x32xf32, #tpu.memory_space<hbm>> -> memref<100000x32xf32, #tpu.memory_space<hbm>>
    tpu.enqueue_indirect_dma source(%dma_start3A_315 : memref<100000x32xf32, #tpu.memory_space<hbm>>) target(%dma_start3A_309 : memref<800x32xf32, #tpu.memory_space<vmem>>) offsets(%dma_start3A_312 : memref<800xi32, #tpu.memory_space<vmem>>) semaphore(%arg12 : memref<!tpu.dma_semaphore, #tpu.memory_space<semaphore_mem>>)
    %dma_wait3A_316 = arith.constant 3 : i32
    %dma_wait3A_317 = arith.constant 3 : i32
    %dma_wait3A_318 = arith.constant 0 : i32
    %dma_wait3A_319 = arith.constant 0 : i32
    %dma_wait3A_320 = tpu.memref_slice %arg6[%dma_wait3A_317, %dma_wait3A_318, %dma_wait3A_319] : memref<4x800x32xf32, #tpu.memory_space<vmem>> -> memref<1x800x32xf32, #tpu.memory_space<vmem>>
    %dma_wait3A_321 = tpu.memref_squeeze %dma_wait3A_320 : memref<1x800x32xf32, #tpu.memory_space<vmem>> -> memref<800x32xf32, #tpu.memory_space<vmem>>
    %dma_wait3A_322 = arith.constant 0 : i32
    %dma_wait3A_323 = tpu.memref_slice %arg5[%dma_wait3A_316, %dma_wait3A_322] : memref<4x800xi32, #tpu.memory_space<vmem>> -> memref<1x800xi32, #tpu.memory_space<vmem>>
    %dma_wait3A_324 = tpu.memref_squeeze %dma_wait3A_323 : memref<1x800xi32, #tpu.memory_space<vmem>> -> memref<800xi32, #tpu.memory_space<vmem>>
    %dma_wait3A_325 = arith.constant 0 : i32
    %dma_wait3A_326 = arith.constant 0 : i32
    %dma_wait3A_327 = tpu.memref_slice %arg3[%dma_wait3A_325, %dma_wait3A_326] : memref<100000x32xf32, #tpu.memory_space<hbm>> -> memref<100000x32xf32, #tpu.memory_space<hbm>>
    tpu.wait_indirect_dma semaphore(%arg14 : memref<!tpu.dma_semaphore, #tpu.memory_space<semaphore_mem>>) src(%dma_wait3A_327 : memref<100000x32xf32, #tpu.memory_space<hbm>>) dst(%dma_wait3A_321 : memref<800x32xf32, #tpu.memory_space<vmem>>)
    %add3A_328 = arith.constant 98400 : i32
    %add3A_329 = arith.addi %mul3A_2, %add3A_328 : i32
    %dma_start3A_330 = arith.constant 3 : i32
    %dma_start3A_331 = arith.constant 0 : i32
    %dma_start3A_332 = arith.constant 0 : i32
    %dma_start3A_333 = tpu.memref_slice %arg6[%dma_start3A_330, %dma_start3A_331, %dma_start3A_332] : memref<4x800x32xf32, #tpu.memory_space<vmem>> -> memref<1x800x32xf32, #tpu.memory_space<vmem>>
    %dma_start3A_334 = tpu.memref_squeeze %dma_start3A_333 : memref<1x800x32xf32, #tpu.memory_space<vmem>> -> memref<800x32xf32, #tpu.memory_space<vmem>>
    %dma_start3A_335 = arith.constant 0 : i32
    %dma_start3A_336 = tpu.memref_slice %arg4[%add3A_329, %dma_start3A_335] : memref<3276800x32xf32, #tpu.memory_space<hbm>> -> memref<800x32xf32, #tpu.memory_space<hbm>>
    %dma_start3A_337 = arith.constant 0 : i32
    %dma_start3A_338 = tpu.memref_slice %arg4[%add3A_329, %dma_start3A_337] : memref<3276800x32xf32, #tpu.memory_space<hbm>> -> memref<800x32xf32, #tpu.memory_space<hbm>>
    %dma_start3A_339 = arith.constant 0 : i32
    %dma_start3A_340 = arith.constant 0 : i32
    %dma_start3A_341 = tpu.memref_slice %arg6[%dma_start3A_330, %dma_start3A_339, %dma_start3A_340] : memref<4x800x32xf32, #tpu.memory_space<vmem>> -> memref<1x800x32xf32, #tpu.memory_space<vmem>>
    %dma_start3A_342 = tpu.memref_squeeze %dma_start3A_341 : memref<1x800x32xf32, #tpu.memory_space<vmem>> -> memref<800x32xf32, #tpu.memory_space<vmem>>
    tpu.enqueue_dma source(%dma_start3A_342 : memref<800x32xf32, #tpu.memory_space<vmem>>) target(%dma_start3A_338 : memref<800x32xf32, #tpu.memory_space<hbm>>) target_semaphore(%arg18 : memref<!tpu.dma_semaphore, #tpu.memory_space<semaphore_mem>>)
    %add3A_343 = arith.constant 101600 : i32
    %add3A_344 = arith.addi %mul3A_2, %add3A_343 : i32
    %dma_start3A_345 = arith.constant 3 : i32
    %dma_start3A_346 = arith.constant 0 : i32
    %dma_start3A_347 = tpu.memref_slice %arg5[%dma_start3A_345, %dma_start3A_346] : memref<4x800xi32, #tpu.memory_space<vmem>> -> memref<1x800xi32, #tpu.memory_space<vmem>>
    %dma_start3A_348 = tpu.memref_squeeze %dma_start3A_347 : memref<1x800xi32, #tpu.memory_space<vmem>> -> memref<800xi32, #tpu.memory_space<vmem>>
    %dma_start3A_349 = tpu.memref_slice %arg2[%add3A_344] : memref<3276800xi32, #tpu.memory_space<hbm>> -> memref<800xi32, #tpu.memory_space<hbm>>
    %dma_start3A_350 = arith.constant 0 : i32
    %dma_start3A_351 = tpu.memref_slice %arg5[%dma_start3A_345, %dma_start3A_350] : memref<4x800xi32, #tpu.memory_space<vmem>> -> memref<1x800xi32, #tpu.memory_space<vmem>>
    %dma_start3A_352 = tpu.memref_squeeze %dma_start3A_351 : memref<1x800xi32, #tpu.memory_space<vmem>> -> memref<800xi32, #tpu.memory_space<vmem>>
    %dma_start3A_353 = tpu.memref_slice %arg2[%add3A_344] : memref<3276800xi32, #tpu.memory_space<hbm>> -> memref<800xi32, #tpu.memory_space<hbm>>
    tpu.enqueue_dma source(%dma_start3A_353 : memref<800xi32, #tpu.memory_space<hbm>>) target(%dma_start3A_352 : memref<800xi32, #tpu.memory_space<vmem>>) target_semaphore(%arg10 : memref<!tpu.dma_semaphore, #tpu.memory_space<semaphore_mem>>)
    %dma_wait3A_354 = arith.constant 2 : i32
    %dma_wait3A_355 = arith.constant 0 : i32
    %dma_wait3A_356 = arith.constant 0 : i32
    %dma_wait3A_357 = tpu.memref_slice %arg6[%dma_wait3A_354, %dma_wait3A_355, %dma_wait3A_356] : memref<4x800x32xf32, #tpu.memory_space<vmem>> -> memref<1x800x32xf32, #tpu.memory_space<vmem>>
    %dma_wait3A_358 = tpu.memref_squeeze %dma_wait3A_357 : memref<1x800x32xf32, #tpu.memory_space<vmem>> -> memref<800x32xf32, #tpu.memory_space<vmem>>
    %dma_wait3A_359 = arith.constant 0 : i32
    %dma_wait3A_360 = tpu.memref_slice %arg4[%mul3A_2, %dma_wait3A_359] : memref<3276800x32xf32, #tpu.memory_space<hbm>> -> memref<800x32xf32, #tpu.memory_space<hbm>>
    %dma_wait3A_361 = arith.constant 0 : i32
    %dma_wait3A_362 = tpu.memref_slice %arg4[%mul3A_2, %dma_wait3A_361] : memref<3276800x32xf32, #tpu.memory_space<hbm>> -> memref<800x32xf32, #tpu.memory_space<hbm>>
    %dma_wait3A_363 = arith.constant 0 : i32
    %dma_wait3A_364 = arith.constant 0 : i32
    %dma_wait3A_365 = tpu.memref_slice %arg6[%dma_wait3A_354, %dma_wait3A_363, %dma_wait3A_364] : memref<4x800x32xf32, #tpu.memory_space<vmem>> -> memref<1x800x32xf32, #tpu.memory_space<vmem>>
    %dma_wait3A_366 = tpu.memref_squeeze %dma_wait3A_365 : memref<1x800x32xf32, #tpu.memory_space<vmem>> -> memref<800x32xf32, #tpu.memory_space<vmem>>
    tpu.wait_dma2 semaphore(%arg17 : memref<!tpu.dma_semaphore, #tpu.memory_space<semaphore_mem>>) src(%dma_wait3A_366 : memref<800x32xf32, #tpu.memory_space<vmem>>) dst(%dma_wait3A_362 : memref<800x32xf32, #tpu.memory_space<hbm>>)
    %dma_wait3A_367 = arith.constant 2 : i32
    %dma_wait3A_368 = arith.constant 0 : i32
    %dma_wait3A_369 = tpu.memref_slice %arg5[%dma_wait3A_367, %dma_wait3A_368] : memref<4x800xi32, #tpu.memory_space<vmem>> -> memref<1x800xi32, #tpu.memory_space<vmem>>
    %dma_wait3A_370 = tpu.memref_squeeze %dma_wait3A_369 : memref<1x800xi32, #tpu.memory_space<vmem>> -> memref<800xi32, #tpu.memory_space<vmem>>
    %dma_wait3A_371 = tpu.memref_slice %arg2[%mul3A_2] : memref<3276800xi32, #tpu.memory_space<hbm>> -> memref<800xi32, #tpu.memory_space<hbm>>
    %dma_wait3A_372 = arith.constant 0 : i32
    %dma_wait3A_373 = tpu.memref_slice %arg5[%dma_wait3A_367, %dma_wait3A_372] : memref<4x800xi32, #tpu.memory_space<vmem>> -> memref<1x800xi32, #tpu.memory_space<vmem>>
    %dma_wait3A_374 = tpu.memref_squeeze %dma_wait3A_373 : memref<1x800xi32, #tpu.memory_space<vmem>> -> memref<800xi32, #tpu.memory_space<vmem>>
    %dma_wait3A_375 = tpu.memref_slice %arg2[%mul3A_2] : memref<3276800xi32, #tpu.memory_space<hbm>> -> memref<800xi32, #tpu.memory_space<hbm>>
    tpu.wait_dma2 semaphore(%arg9 : memref<!tpu.dma_semaphore, #tpu.memory_space<semaphore_mem>>) src(%dma_wait3A_375 : memref<800xi32, #tpu.memory_space<hbm>>) dst(%dma_wait3A_374 : memref<800xi32, #tpu.memory_space<vmem>>)
    %dma_start3A_376 = arith.constant 2 : i32
    %dma_start3A_377 = arith.constant 2 : i32
    %dma_start3A_378 = arith.constant 0 : i32
    %dma_start3A_379 = arith.constant 0 : i32
    %dma_start3A_380 = tpu.memref_slice %arg6[%dma_start3A_377, %dma_start3A_378, %dma_start3A_379] : memref<4x800x32xf32, #tpu.memory_space<vmem>> -> memref<1x800x32xf32, #tpu.memory_space<vmem>>
    %dma_start3A_381 = tpu.memref_squeeze %dma_start3A_380 : memref<1x800x32xf32, #tpu.memory_space<vmem>> -> memref<800x32xf32, #tpu.memory_space<vmem>>
    %dma_start3A_382 = arith.constant 0 : i32
    %dma_start3A_383 = tpu.memref_slice %arg5[%dma_start3A_376, %dma_start3A_382] : memref<4x800xi32, #tpu.memory_space<vmem>> -> memref<1x800xi32, #tpu.memory_space<vmem>>
    %dma_start3A_384 = tpu.memref_squeeze %dma_start3A_383 : memref<1x800xi32, #tpu.memory_space<vmem>> -> memref<800xi32, #tpu.memory_space<vmem>>
    %dma_start3A_385 = arith.constant 0 : i32
    %dma_start3A_386 = arith.constant 0 : i32
    %dma_start3A_387 = tpu.memref_slice %arg3[%dma_start3A_385, %dma_start3A_386] : memref<100000x32xf32, #tpu.memory_space<hbm>> -> memref<100000x32xf32, #tpu.memory_space<hbm>>
    tpu.enqueue_indirect_dma source(%dma_start3A_387 : memref<100000x32xf32, #tpu.memory_space<hbm>>) target(%dma_start3A_381 : memref<800x32xf32, #tpu.memory_space<vmem>>) offsets(%dma_start3A_384 : memref<800xi32, #tpu.memory_space<vmem>>) semaphore(%arg13 : memref<!tpu.dma_semaphore, #tpu.memory_space<semaphore_mem>>)
    %dma_wait3A_388 = arith.constant 0 : i32
    %dma_wait3A_389 = arith.constant 0 : i32
    %dma_wait3A_390 = arith.constant 0 : i32
    %dma_wait3A_391 = arith.constant 0 : i32
    %dma_wait3A_392 = tpu.memref_slice %arg6[%dma_wait3A_389, %dma_wait3A_390, %dma_wait3A_391] : memref<4x800x32xf32, #tpu.memory_space<vmem>> -> memref<1x800x32xf32, #tpu.memory_space<vmem>>
    %dma_wait3A_393 = tpu.memref_squeeze %dma_wait3A_392 : memref<1x800x32xf32, #tpu.memory_space<vmem>> -> memref<800x32xf32, #tpu.memory_space<vmem>>
    %dma_wait3A_394 = arith.constant 0 : i32
    %dma_wait3A_395 = tpu.memref_slice %arg5[%dma_wait3A_388, %dma_wait3A_394] : memref<4x800xi32, #tpu.memory_space<vmem>> -> memref<1x800xi32, #tpu.memory_space<vmem>>
    %dma_wait3A_396 = tpu.memref_squeeze %dma_wait3A_395 : memref<1x800xi32, #tpu.memory_space<vmem>> -> memref<800xi32, #tpu.memory_space<vmem>>
    %dma_wait3A_397 = arith.constant 0 : i32
    %dma_wait3A_398 = arith.constant 0 : i32
    %dma_wait3A_399 = tpu.memref_slice %arg3[%dma_wait3A_397, %dma_wait3A_398] : memref<100000x32xf32, #tpu.memory_space<hbm>> -> memref<100000x32xf32, #tpu.memory_space<hbm>>
    tpu.wait_indirect_dma semaphore(%arg11 : memref<!tpu.dma_semaphore, #tpu.memory_space<semaphore_mem>>) src(%dma_wait3A_399 : memref<100000x32xf32, #tpu.memory_space<hbm>>) dst(%dma_wait3A_393 : memref<800x32xf32, #tpu.memory_space<vmem>>)
    %add3A_400 = arith.constant 99200 : i32
    %add3A_401 = arith.addi %mul3A_2, %add3A_400 : i32
    %dma_start3A_402 = arith.constant 0 : i32
    %dma_start3A_403 = arith.constant 0 : i32
    %dma_start3A_404 = arith.constant 0 : i32
    %dma_start3A_405 = tpu.memref_slice %arg6[%dma_start3A_402, %dma_start3A_403, %dma_start3A_404] : memref<4x800x32xf32, #tpu.memory_space<vmem>> -> memref<1x800x32xf32, #tpu.memory_space<vmem>>
    %dma_start3A_406 = tpu.memref_squeeze %dma_start3A_405 : memref<1x800x32xf32, #tpu.memory_space<vmem>> -> memref<800x32xf32, #tpu.memory_space<vmem>>
    %dma_start3A_407 = arith.constant 0 : i32
    %dma_start3A_408 = tpu.memref_slice %arg4[%add3A_401, %dma_start3A_407] : memref<3276800x32xf32, #tpu.memory_space<hbm>> -> memref<800x32xf32, #tpu.memory_space<hbm>>
    %dma_start3A_409 = arith.constant 0 : i32
    %dma_start3A_410 = tpu.memref_slice %arg4[%add3A_401, %dma_start3A_409] : memref<3276800x32xf32, #tpu.memory_space<hbm>> -> memref<800x32xf32, #tpu.memory_space<hbm>>
    %dma_start3A_411 = arith.constant 0 : i32
    %dma_start3A_412 = arith.constant 0 : i32
    %dma_start3A_413 = tpu.memref_slice %arg6[%dma_start3A_402, %dma_start3A_411, %dma_start3A_412] : memref<4x800x32xf32, #tpu.memory_space<vmem>> -> memref<1x800x32xf32, #tpu.memory_space<vmem>>
    %dma_start3A_414 = tpu.memref_squeeze %dma_start3A_413 : memref<1x800x32xf32, #tpu.memory_space<vmem>> -> memref<800x32xf32, #tpu.memory_space<vmem>>
    tpu.enqueue_dma source(%dma_start3A_414 : memref<800x32xf32, #tpu.memory_space<vmem>>) target(%dma_start3A_410 : memref<800x32xf32, #tpu.memory_space<hbm>>) target_semaphore(%arg15 : memref<!tpu.dma_semaphore, #tpu.memory_space<semaphore_mem>>)
    %dma_wait3A_415 = arith.constant 3 : i32
    %dma_wait3A_416 = arith.constant 0 : i32
    %dma_wait3A_417 = arith.constant 0 : i32
    %dma_wait3A_418 = tpu.memref_slice %arg6[%dma_wait3A_415, %dma_wait3A_416, %dma_wait3A_417] : memref<4x800x32xf32, #tpu.memory_space<vmem>> -> memref<1x800x32xf32, #tpu.memory_space<vmem>>
    %dma_wait3A_419 = tpu.memref_squeeze %dma_wait3A_418 : memref<1x800x32xf32, #tpu.memory_space<vmem>> -> memref<800x32xf32, #tpu.memory_space<vmem>>
    %dma_wait3A_420 = arith.constant 0 : i32
    %dma_wait3A_421 = tpu.memref_slice %arg4[%mul3A_2, %dma_wait3A_420] : memref<3276800x32xf32, #tpu.memory_space<hbm>> -> memref<800x32xf32, #tpu.memory_space<hbm>>
    %dma_wait3A_422 = arith.constant 0 : i32
    %dma_wait3A_423 = tpu.memref_slice %arg4[%mul3A_2, %dma_wait3A_422] : memref<3276800x32xf32, #tpu.memory_space<hbm>> -> memref<800x32xf32, #tpu.memory_space<hbm>>
    %dma_wait3A_424 = arith.constant 0 : i32
    %dma_wait3A_425 = arith.constant 0 : i32
    %dma_wait3A_426 = tpu.memref_slice %arg6[%dma_wait3A_415, %dma_wait3A_424, %dma_wait3A_425] : memref<4x800x32xf32, #tpu.memory_space<vmem>> -> memref<1x800x32xf32, #tpu.memory_space<vmem>>
    %dma_wait3A_427 = tpu.memref_squeeze %dma_wait3A_426 : memref<1x800x32xf32, #tpu.memory_space<vmem>> -> memref<800x32xf32, #tpu.memory_space<vmem>>
    tpu.wait_dma2 semaphore(%arg18 : memref<!tpu.dma_semaphore, #tpu.memory_space<semaphore_mem>>) src(%dma_wait3A_427 : memref<800x32xf32, #tpu.memory_space<vmem>>) dst(%dma_wait3A_423 : memref<800x32xf32, #tpu.memory_space<hbm>>)
    %dma_wait3A_428 = arith.constant 3 : i32
    %dma_wait3A_429 = arith.constant 0 : i32
    %dma_wait3A_430 = tpu.memref_slice %arg5[%dma_wait3A_428, %dma_wait3A_429] : memref<4x800xi32, #tpu.memory_space<vmem>> -> memref<1x800xi32, #tpu.memory_space<vmem>>
    %dma_wait3A_431 = tpu.memref_squeeze %dma_wait3A_430 : memref<1x800xi32, #tpu.memory_space<vmem>> -> memref<800xi32, #tpu.memory_space<vmem>>
    %dma_wait3A_432 = tpu.memref_slice %arg2[%mul3A_2] : memref<3276800xi32, #tpu.memory_space<hbm>> -> memref<800xi32, #tpu.memory_space<hbm>>
    %dma_wait3A_433 = arith.constant 0 : i32
    %dma_wait3A_434 = tpu.memref_slice %arg5[%dma_wait3A_428, %dma_wait3A_433] : memref<4x800xi32, #tpu.memory_space<vmem>> -> memref<1x800xi32, #tpu.memory_space<vmem>>
    %dma_wait3A_435 = tpu.memref_squeeze %dma_wait3A_434 : memref<1x800xi32, #tpu.memory_space<vmem>> -> memref<800xi32, #tpu.memory_space<vmem>>
    %dma_wait3A_436 = tpu.memref_slice %arg2[%mul3A_2] : memref<3276800xi32, #tpu.memory_space<hbm>> -> memref<800xi32, #tpu.memory_space<hbm>>
    tpu.wait_dma2 semaphore(%arg10 : memref<!tpu.dma_semaphore, #tpu.memory_space<semaphore_mem>>) src(%dma_wait3A_436 : memref<800xi32, #tpu.memory_space<hbm>>) dst(%dma_wait3A_435 : memref<800xi32, #tpu.memory_space<vmem>>)
    %dma_start3A_437 = arith.constant 3 : i32
    %dma_start3A_438 = arith.constant 3 : i32
    %dma_start3A_439 = arith.constant 0 : i32
    %dma_start3A_440 = arith.constant 0 : i32
    %dma_start3A_441 = tpu.memref_slice %arg6[%dma_start3A_438, %dma_start3A_439, %dma_start3A_440] : memref<4x800x32xf32, #tpu.memory_space<vmem>> -> memref<1x800x32xf32, #tpu.memory_space<vmem>>
    %dma_start3A_442 = tpu.memref_squeeze %dma_start3A_441 : memref<1x800x32xf32, #tpu.memory_space<vmem>> -> memref<800x32xf32, #tpu.memory_space<vmem>>
    %dma_start3A_443 = arith.constant 0 : i32
    %dma_start3A_444 = tpu.memref_slice %arg5[%dma_start3A_437, %dma_start3A_443] : memref<4x800xi32, #tpu.memory_space<vmem>> -> memref<1x800xi32, #tpu.memory_space<vmem>>
    %dma_start3A_445 = tpu.memref_squeeze %dma_start3A_444 : memref<1x800xi32, #tpu.memory_space<vmem>> -> memref<800xi32, #tpu.memory_space<vmem>>
    %dma_start3A_446 = arith.constant 0 : i32
    %dma_start3A_447 = arith.constant 0 : i32
    %dma_start3A_448 = tpu.memref_slice %arg3[%dma_start3A_446, %dma_start3A_447] : memref<100000x32xf32, #tpu.memory_space<hbm>> -> memref<100000x32xf32, #tpu.memory_space<hbm>>
    tpu.enqueue_indirect_dma source(%dma_start3A_448 : memref<100000x32xf32, #tpu.memory_space<hbm>>) target(%dma_start3A_442 : memref<800x32xf32, #tpu.memory_space<vmem>>) offsets(%dma_start3A_445 : memref<800xi32, #tpu.memory_space<vmem>>) semaphore(%arg14 : memref<!tpu.dma_semaphore, #tpu.memory_space<semaphore_mem>>)
    %dma_wait3A_449 = arith.constant 1 : i32
    %dma_wait3A_450 = arith.constant 1 : i32
    %dma_wait3A_451 = arith.constant 0 : i32
    %dma_wait3A_452 = arith.constant 0 : i32
    %dma_wait3A_453 = tpu.memref_slice %arg6[%dma_wait3A_450, %dma_wait3A_451, %dma_wait3A_452] : memref<4x800x32xf32, #tpu.memory_space<vmem>> -> memref<1x800x32xf32, #tpu.memory_space<vmem>>
    %dma_wait3A_454 = tpu.memref_squeeze %dma_wait3A_453 : memref<1x800x32xf32, #tpu.memory_space<vmem>> -> memref<800x32xf32, #tpu.memory_space<vmem>>
    %dma_wait3A_455 = arith.constant 0 : i32
    %dma_wait3A_456 = tpu.memref_slice %arg5[%dma_wait3A_449, %dma_wait3A_455] : memref<4x800xi32, #tpu.memory_space<vmem>> -> memref<1x800xi32, #tpu.memory_space<vmem>>
    %dma_wait3A_457 = tpu.memref_squeeze %dma_wait3A_456 : memref<1x800xi32, #tpu.memory_space<vmem>> -> memref<800xi32, #tpu.memory_space<vmem>>
    %dma_wait3A_458 = arith.constant 0 : i32
    %dma_wait3A_459 = arith.constant 0 : i32
    %dma_wait3A_460 = tpu.memref_slice %arg3[%dma_wait3A_458, %dma_wait3A_459] : memref<100000x32xf32, #tpu.memory_space<hbm>> -> memref<100000x32xf32, #tpu.memory_space<hbm>>
    tpu.wait_indirect_dma semaphore(%arg12 : memref<!tpu.dma_semaphore, #tpu.memory_space<semaphore_mem>>) src(%dma_wait3A_460 : memref<100000x32xf32, #tpu.memory_space<hbm>>) dst(%dma_wait3A_454 : memref<800x32xf32, #tpu.memory_space<vmem>>)
    %add3A_461 = arith.constant 100000 : i32
    %add3A_462 = arith.addi %mul3A_2, %add3A_461 : i32
    %dma_start3A_463 = arith.constant 1 : i32
    %dma_start3A_464 = arith.constant 0 : i32
    %dma_start3A_465 = arith.constant 0 : i32
    %dma_start3A_466 = tpu.memref_slice %arg6[%dma_start3A_463, %dma_start3A_464, %dma_start3A_465] : memref<4x800x32xf32, #tpu.memory_space<vmem>> -> memref<1x800x32xf32, #tpu.memory_space<vmem>>
    %dma_start3A_467 = tpu.memref_squeeze %dma_start3A_466 : memref<1x800x32xf32, #tpu.memory_space<vmem>> -> memref<800x32xf32, #tpu.memory_space<vmem>>
    %dma_start3A_468 = arith.constant 0 : i32
    %dma_start3A_469 = tpu.memref_slice %arg4[%add3A_462, %dma_start3A_468] : memref<3276800x32xf32, #tpu.memory_space<hbm>> -> memref<800x32xf32, #tpu.memory_space<hbm>>
    %dma_start3A_470 = arith.constant 0 : i32
    %dma_start3A_471 = tpu.memref_slice %arg4[%add3A_462, %dma_start3A_470] : memref<3276800x32xf32, #tpu.memory_space<hbm>> -> memref<800x32xf32, #tpu.memory_space<hbm>>
    %dma_start3A_472 = arith.constant 0 : i32
    %dma_start3A_473 = arith.constant 0 : i32
    %dma_start3A_474 = tpu.memref_slice %arg6[%dma_start3A_463, %dma_start3A_472, %dma_start3A_473] : memref<4x800x32xf32, #tpu.memory_space<vmem>> -> memref<1x800x32xf32, #tpu.memory_space<vmem>>
    %dma_start3A_475 = tpu.memref_squeeze %dma_start3A_474 : memref<1x800x32xf32, #tpu.memory_space<vmem>> -> memref<800x32xf32, #tpu.memory_space<vmem>>
    tpu.enqueue_dma source(%dma_start3A_475 : memref<800x32xf32, #tpu.memory_space<vmem>>) target(%dma_start3A_471 : memref<800x32xf32, #tpu.memory_space<hbm>>) target_semaphore(%arg16 : memref<!tpu.dma_semaphore, #tpu.memory_space<semaphore_mem>>)
    %dma_wait3A_476 = arith.constant 2 : i32
    %dma_wait3A_477 = arith.constant 2 : i32
    %dma_wait3A_478 = arith.constant 0 : i32
    %dma_wait3A_479 = arith.constant 0 : i32
    %dma_wait3A_480 = tpu.memref_slice %arg6[%dma_wait3A_477, %dma_wait3A_478, %dma_wait3A_479] : memref<4x800x32xf32, #tpu.memory_space<vmem>> -> memref<1x800x32xf32, #tpu.memory_space<vmem>>
    %dma_wait3A_481 = tpu.memref_squeeze %dma_wait3A_480 : memref<1x800x32xf32, #tpu.memory_space<vmem>> -> memref<800x32xf32, #tpu.memory_space<vmem>>
    %dma_wait3A_482 = arith.constant 0 : i32
    %dma_wait3A_483 = tpu.memref_slice %arg5[%dma_wait3A_476, %dma_wait3A_482] : memref<4x800xi32, #tpu.memory_space<vmem>> -> memref<1x800xi32, #tpu.memory_space<vmem>>
    %dma_wait3A_484 = tpu.memref_squeeze %dma_wait3A_483 : memref<1x800xi32, #tpu.memory_space<vmem>> -> memref<800xi32, #tpu.memory_space<vmem>>
    %dma_wait3A_485 = arith.constant 0 : i32
    %dma_wait3A_486 = arith.constant 0 : i32
    %dma_wait3A_487 = tpu.memref_slice %arg3[%dma_wait3A_485, %dma_wait3A_486] : memref<100000x32xf32, #tpu.memory_space<hbm>> -> memref<100000x32xf32, #tpu.memory_space<hbm>>
    tpu.wait_indirect_dma semaphore(%arg13 : memref<!tpu.dma_semaphore, #tpu.memory_space<semaphore_mem>>) src(%dma_wait3A_487 : memref<100000x32xf32, #tpu.memory_space<hbm>>) dst(%dma_wait3A_481 : memref<800x32xf32, #tpu.memory_space<vmem>>)
    %add3A_488 = arith.constant 100800 : i32
    %add3A_489 = arith.addi %mul3A_2, %add3A_488 : i32
    %dma_start3A_490 = arith.constant 2 : i32
    %dma_start3A_491 = arith.constant 0 : i32
    %dma_start3A_492 = arith.constant 0 : i32
    %dma_start3A_493 = tpu.memref_slice %arg6[%dma_start3A_490, %dma_start3A_491, %dma_start3A_492] : memref<4x800x32xf32, #tpu.memory_space<vmem>> -> memref<1x800x32xf32, #tpu.memory_space<vmem>>
    %dma_start3A_494 = tpu.memref_squeeze %dma_start3A_493 : memref<1x800x32xf32, #tpu.memory_space<vmem>> -> memref<800x32xf32, #tpu.memory_space<vmem>>
    %dma_start3A_495 = arith.constant 0 : i32
    %dma_start3A_496 = tpu.memref_slice %arg4[%add3A_489, %dma_start3A_495] : memref<3276800x32xf32, #tpu.memory_space<hbm>> -> memref<800x32xf32, #tpu.memory_space<hbm>>
    %dma_start3A_497 = arith.constant 0 : i32
    %dma_start3A_498 = tpu.memref_slice %arg4[%add3A_489, %dma_start3A_497] : memref<3276800x32xf32, #tpu.memory_space<hbm>> -> memref<800x32xf32, #tpu.memory_space<hbm>>
    %dma_start3A_499 = arith.constant 0 : i32
    %dma_start3A_500 = arith.constant 0 : i32
    %dma_start3A_501 = tpu.memref_slice %arg6[%dma_start3A_490, %dma_start3A_499, %dma_start3A_500] : memref<4x800x32xf32, #tpu.memory_space<vmem>> -> memref<1x800x32xf32, #tpu.memory_space<vmem>>
    %dma_start3A_502 = tpu.memref_squeeze %dma_start3A_501 : memref<1x800x32xf32, #tpu.memory_space<vmem>> -> memref<800x32xf32, #tpu.memory_space<vmem>>
    tpu.enqueue_dma source(%dma_start3A_502 : memref<800x32xf32, #tpu.memory_space<vmem>>) target(%dma_start3A_498 : memref<800x32xf32, #tpu.memory_space<hbm>>) target_semaphore(%arg17 : memref<!tpu.dma_semaphore, #tpu.memory_space<semaphore_mem>>)
    %dma_wait3A_503 = arith.constant 3 : i32
    %dma_wait3A_504 = arith.constant 3 : i32
    %dma_wait3A_505 = arith.constant 0 : i32
    %dma_wait3A_506 = arith.constant 0 : i32
    %dma_wait3A_507 = tpu.memref_slice %arg6[%dma_wait3A_504, %dma_wait3A_505, %dma_wait3A_506] : memref<4x800x32xf32, #tpu.memory_space<vmem>> -> memref<1x800x32xf32, #tpu.memory_space<vmem>>
    %dma_wait3A_508 = tpu.memref_squeeze %dma_wait3A_507 : memref<1x800x32xf32, #tpu.memory_space<vmem>> -> memref<800x32xf32, #tpu.memory_space<vmem>>
    %dma_wait3A_509 = arith.constant 0 : i32
    %dma_wait3A_510 = tpu.memref_slice %arg5[%dma_wait3A_503, %dma_wait3A_509] : memref<4x800xi32, #tpu.memory_space<vmem>> -> memref<1x800xi32, #tpu.memory_space<vmem>>
    %dma_wait3A_511 = tpu.memref_squeeze %dma_wait3A_510 : memref<1x800xi32, #tpu.memory_space<vmem>> -> memref<800xi32, #tpu.memory_space<vmem>>
    %dma_wait3A_512 = arith.constant 0 : i32
    %dma_wait3A_513 = arith.constant 0 : i32
    %dma_wait3A_514 = tpu.memref_slice %arg3[%dma_wait3A_512, %dma_wait3A_513] : memref<100000x32xf32, #tpu.memory_space<hbm>> -> memref<100000x32xf32, #tpu.memory_space<hbm>>
    tpu.wait_indirect_dma semaphore(%arg14 : memref<!tpu.dma_semaphore, #tpu.memory_space<semaphore_mem>>) src(%dma_wait3A_514 : memref<100000x32xf32, #tpu.memory_space<hbm>>) dst(%dma_wait3A_508 : memref<800x32xf32, #tpu.memory_space<vmem>>)
    %add3A_515 = arith.constant 101600 : i32
    %add3A_516 = arith.addi %mul3A_2, %add3A_515 : i32
    %dma_start3A_517 = arith.constant 3 : i32
    %dma_start3A_518 = arith.constant 0 : i32
    %dma_start3A_519 = arith.constant 0 : i32
    %dma_start3A_520 = tpu.memref_slice %arg6[%dma_start3A_517, %dma_start3A_518, %dma_start3A_519] : memref<4x800x32xf32, #tpu.memory_space<vmem>> -> memref<1x800x32xf32, #tpu.memory_space<vmem>>
    %dma_start3A_521 = tpu.memref_squeeze %dma_start3A_520 : memref<1x800x32xf32, #tpu.memory_space<vmem>> -> memref<800x32xf32, #tpu.memory_space<vmem>>
    %dma_start3A_522 = arith.constant 0 : i32
    %dma_start3A_523 = tpu.memref_slice %arg4[%add3A_516, %dma_start3A_522] : memref<3276800x32xf32, #tpu.memory_space<hbm>> -> memref<800x32xf32, #tpu.memory_space<hbm>>
    %dma_start3A_524 = arith.constant 0 : i32
    %dma_start3A_525 = tpu.memref_slice %arg4[%add3A_516, %dma_start3A_524] : memref<3276800x32xf32, #tpu.memory_space<hbm>> -> memref<800x32xf32, #tpu.memory_space<hbm>>
    %dma_start3A_526 = arith.constant 0 : i32
    %dma_start3A_527 = arith.constant 0 : i32
    %dma_start3A_528 = tpu.memref_slice %arg6[%dma_start3A_517, %dma_start3A_526, %dma_start3A_527] : memref<4x800x32xf32, #tpu.memory_space<vmem>> -> memref<1x800x32xf32, #tpu.memory_space<vmem>>
    %dma_start3A_529 = tpu.memref_squeeze %dma_start3A_528 : memref<1x800x32xf32, #tpu.memory_space<vmem>> -> memref<800x32xf32, #tpu.memory_space<vmem>>
    tpu.enqueue_dma source(%dma_start3A_529 : memref<800x32xf32, #tpu.memory_space<vmem>>) target(%dma_start3A_525 : memref<800x32xf32, #tpu.memory_space<hbm>>) target_semaphore(%arg18 : memref<!tpu.dma_semaphore, #tpu.memory_space<semaphore_mem>>)
    %dma_wait3A_530 = arith.constant 0 : i32
    %dma_wait3A_531 = arith.constant 0 : i32
    %dma_wait3A_532 = arith.constant 0 : i32
    %dma_wait3A_533 = tpu.memref_slice %arg6[%dma_wait3A_530, %dma_wait3A_531, %dma_wait3A_532] : memref<4x800x32xf32, #tpu.memory_space<vmem>> -> memref<1x800x32xf32, #tpu.memory_space<vmem>>
    %dma_wait3A_534 = tpu.memref_squeeze %dma_wait3A_533 : memref<1x800x32xf32, #tpu.memory_space<vmem>> -> memref<800x32xf32, #tpu.memory_space<vmem>>
    %dma_wait3A_535 = arith.constant 0 : i32
    %dma_wait3A_536 = tpu.memref_slice %arg4[%mul3A_2, %dma_wait3A_535] : memref<3276800x32xf32, #tpu.memory_space<hbm>> -> memref<800x32xf32, #tpu.memory_space<hbm>>
    %dma_wait3A_537 = arith.constant 0 : i32
    %dma_wait3A_538 = tpu.memref_slice %arg4[%mul3A_2, %dma_wait3A_537] : memref<3276800x32xf32, #tpu.memory_space<hbm>> -> memref<800x32xf32, #tpu.memory_space<hbm>>
    %dma_wait3A_539 = arith.constant 0 : i32
    %dma_wait3A_540 = arith.constant 0 : i32
    %dma_wait3A_541 = tpu.memref_slice %arg6[%dma_wait3A_530, %dma_wait3A_539, %dma_wait3A_540] : memref<4x800x32xf32, #tpu.memory_space<vmem>> -> memref<1x800x32xf32, #tpu.memory_space<vmem>>
    %dma_wait3A_542 = tpu.memref_squeeze %dma_wait3A_541 : memref<1x800x32xf32, #tpu.memory_space<vmem>> -> memref<800x32xf32, #tpu.memory_space<vmem>>
    tpu.wait_dma2 semaphore(%arg15 : memref<!tpu.dma_semaphore, #tpu.memory_space<semaphore_mem>>) src(%dma_wait3A_542 : memref<800x32xf32, #tpu.memory_space<vmem>>) dst(%dma_wait3A_538 : memref<800x32xf32, #tpu.memory_space<hbm>>)
    %dma_wait3A_543 = arith.constant 1 : i32
    %dma_wait3A_544 = arith.constant 0 : i32
    %dma_wait3A_545 = arith.constant 0 : i32
    %dma_wait3A_546 = tpu.memref_slice %arg6[%dma_wait3A_543, %dma_wait3A_544, %dma_wait3A_545] : memref<4x800x32xf32, #tpu.memory_space<vmem>> -> memref<1x800x32xf32, #tpu.memory_space<vmem>>
    %dma_wait3A_547 = tpu.memref_squeeze %dma_wait3A_546 : memref<1x800x32xf32, #tpu.memory_space<vmem>> -> memref<800x32xf32, #tpu.memory_space<vmem>>
    %dma_wait3A_548 = arith.constant 0 : i32
    %dma_wait3A_549 = tpu.memref_slice %arg4[%mul3A_2, %dma_wait3A_548] : memref<3276800x32xf32, #tpu.memory_space<hbm>> -> memref<800x32xf32, #tpu.memory_space<hbm>>
    %dma_wait3A_550 = arith.constant 0 : i32
    %dma_wait3A_551 = tpu.memref_slice %arg4[%mul3A_2, %dma_wait3A_550] : memref<3276800x32xf32, #tpu.memory_space<hbm>> -> memref<800x32xf32, #tpu.memory_space<hbm>>
    %dma_wait3A_552 = arith.constant 0 : i32
    %dma_wait3A_553 = arith.constant 0 : i32
    %dma_wait3A_554 = tpu.memref_slice %arg6[%dma_wait3A_543, %dma_wait3A_552, %dma_wait3A_553] : memref<4x800x32xf32, #tpu.memory_space<vmem>> -> memref<1x800x32xf32, #tpu.memory_space<vmem>>
    %dma_wait3A_555 = tpu.memref_squeeze %dma_wait3A_554 : memref<1x800x32xf32, #tpu.memory_space<vmem>> -> memref<800x32xf32, #tpu.memory_space<vmem>>
    tpu.wait_dma2 semaphore(%arg16 : memref<!tpu.dma_semaphore, #tpu.memory_space<semaphore_mem>>) src(%dma_wait3A_555 : memref<800x32xf32, #tpu.memory_space<vmem>>) dst(%dma_wait3A_551 : memref<800x32xf32, #tpu.memory_space<hbm>>)
    %dma_wait3A_556 = arith.constant 2 : i32
    %dma_wait3A_557 = arith.constant 0 : i32
    %dma_wait3A_558 = arith.constant 0 : i32
    %dma_wait3A_559 = tpu.memref_slice %arg6[%dma_wait3A_556, %dma_wait3A_557, %dma_wait3A_558] : memref<4x800x32xf32, #tpu.memory_space<vmem>> -> memref<1x800x32xf32, #tpu.memory_space<vmem>>
    %dma_wait3A_560 = tpu.memref_squeeze %dma_wait3A_559 : memref<1x800x32xf32, #tpu.memory_space<vmem>> -> memref<800x32xf32, #tpu.memory_space<vmem>>
    %dma_wait3A_561 = arith.constant 0 : i32
    %dma_wait3A_562 = tpu.memref_slice %arg4[%mul3A_2, %dma_wait3A_561] : memref<3276800x32xf32, #tpu.memory_space<hbm>> -> memref<800x32xf32, #tpu.memory_space<hbm>>
    %dma_wait3A_563 = arith.constant 0 : i32
    %dma_wait3A_564 = tpu.memref_slice %arg4[%mul3A_2, %dma_wait3A_563] : memref<3276800x32xf32, #tpu.memory_space<hbm>> -> memref<800x32xf32, #tpu.memory_space<hbm>>
    %dma_wait3A_565 = arith.constant 0 : i32
    %dma_wait3A_566 = arith.constant 0 : i32
    %dma_wait3A_567 = tpu.memref_slice %arg6[%dma_wait3A_556, %dma_wait3A_565, %dma_wait3A_566] : memref<4x800x32xf32, #tpu.memory_space<vmem>> -> memref<1x800x32xf32, #tpu.memory_space<vmem>>
    %dma_wait3A_568 = tpu.memref_squeeze %dma_wait3A_567 : memref<1x800x32xf32, #tpu.memory_space<vmem>> -> memref<800x32xf32, #tpu.memory_space<vmem>>
    tpu.wait_dma2 semaphore(%arg17 : memref<!tpu.dma_semaphore, #tpu.memory_space<semaphore_mem>>) src(%dma_wait3A_568 : memref<800x32xf32, #tpu.memory_space<vmem>>) dst(%dma_wait3A_564 : memref<800x32xf32, #tpu.memory_space<hbm>>)
    %dma_wait3A_569 = arith.constant 3 : i32
    %dma_wait3A_570 = arith.constant 0 : i32
    %dma_wait3A_571 = arith.constant 0 : i32
    %dma_wait3A_572 = tpu.memref_slice %arg6[%dma_wait3A_569, %dma_wait3A_570, %dma_wait3A_571] : memref<4x800x32xf32, #tpu.memory_space<vmem>> -> memref<1x800x32xf32, #tpu.memory_space<vmem>>
    %dma_wait3A_573 = tpu.memref_squeeze %dma_wait3A_572 : memref<1x800x32xf32, #tpu.memory_space<vmem>> -> memref<800x32xf32, #tpu.memory_space<vmem>>
    %dma_wait3A_574 = arith.constant 0 : i32
    %dma_wait3A_575 = tpu.memref_slice %arg4[%mul3A_2, %dma_wait3A_574] : memref<3276800x32xf32, #tpu.memory_space<hbm>> -> memref<800x32xf32, #tpu.memory_space<hbm>>
    %dma_wait3A_576 = arith.constant 0 : i32
    %dma_wait3A_577 = tpu.memref_slice %arg4[%mul3A_2, %dma_wait3A_576] : memref<3276800x32xf32, #tpu.memory_space<hbm>> -> memref<800x32xf32, #tpu.memory_space<hbm>>
    %dma_wait3A_578 = arith.constant 0 : i32
    %dma_wait3A_579 = arith.constant 0 : i32
    %dma_wait3A_580 = tpu.memref_slice %arg6[%dma_wait3A_569, %dma_wait3A_578, %dma_wait3A_579] : memref<4x800x32xf32, #tpu.memory_space<vmem>> -> memref<1x800x32xf32, #tpu.memory_space<vmem>>
    %dma_wait3A_581 = tpu.memref_squeeze %dma_wait3A_580 : memref<1x800x32xf32, #tpu.memory_space<vmem>> -> memref<800x32xf32, #tpu.memory_space<vmem>>
    tpu.wait_dma2 semaphore(%arg18 : memref<!tpu.dma_semaphore, #tpu.memory_space<semaphore_mem>>) src(%dma_wait3A_581 : memref<800x32xf32, #tpu.memory_space<vmem>>) dst(%dma_wait3A_577 : memref<800x32xf32, #tpu.memory_space<hbm>>)
    return
  }
}

</mosaic_0001>

<sc_bundles>
// kernel: kernel.3.cloned.1.call-start
scs
__scs_entry_jumppad:
0x0: {  	(pc) =	sbr.rel $0x88, $3  }
0x1: {  	(tag) =	ssettag $0x0;
	lr =	simm.s32 $0x1  }
0x2: {  	[smem:$0x3F9F] =	sst lr;
	_ =	strace $0xD0000000  }
0x3: {  	_ = 	snop  }
0x4: {  	_ = 	snop  }
0x5: {  	_ = 	snop  }
0x6: {  	_ = 	snop  }
0x7: {  	_ = 	snop  }
__scs_overlays_trampoline_lowered:
0x8: {  	[smem:$0x3FAE] =	sst s0  }
0x9: {  	[smem:$0x3FAF] =	sst s1  }
0xa: {  	[smem:$0x3FB0] =	sst s2  }
0xb: {  	[smem:$0x3FB1] =	sst s3  }
0xc: {  	[smem:$0x3FB2] =	sst s4  }
0xd: {  	[smem:$0x3FB3] =	sst s5  }
0xe: {  	[smem:$0x3FB4] =	sst s6  }
0xf: {  	[smem:$0x3FB5] =	sst s7  }
0x10: {  	[smem:$0x3FB6] =	sst s8  }
0x11: {  	[smem:$0x3FB7] =	sst s9;
	s0 =	simm.s32 @!p0 $0x0  }
0x12: {  	s1 =	sld [smem:$0x3F9D];
	s0 =	simm.s32 @p0 $0x1  }
0x13: {  	[smem:$0x3FB8] =	sst s0;
	s0 =	simm.s32 @!p1 $0x0  }
0x14: {  	s2 =	sld [smem:$0x3F9C];
	s0 =	simm.s32 @p1 $0x1  }
0x15: {  	[smem:$0x3FB9] =	sst s0;
	s0 =	simm.s32 @!p2 $0x0  }
0x16: {  	s3 =	sld [smem:$0x3FDB];
	s0 =	simm.s32 @p2 $0x1  }
0x17: {  	s4 =	simm.s32 $0x1BF5;
	[smem:$0x3FBB] =	sst s0  }
0x18: {  	s0 =	sld [smem:$0x3F9E];
	_ =	swait.ge [sflag:s4], $0x0  }
0x19: {  	s7 =	sld [smem:$0x3F9F]  }
0x1a: {  	s8 =	sadd.s32 $0xFFFFE003, lr  }
0x1b: {  	s9 =	sadd.s32 $0xFFFFFEF7, lr;
	s5 =	simm.s32 $0xFFFFFFFF;
	p2 =	slt.u32 s8, $0xFFFFF086  }
0x1c: {  	p1 =	slt.u32 s9, $0xF7A;
	s5 =	simm.s32 @!p2 $0x0  }
0x1d: {  	s5 =	simm.s32 @p1 $0x1;
	p0 =	seq.s32 s7, s2  }
0x1e: {  	s7 =	smul.u32 @!p0 $0xF7A, s2;
	p2 =	seq.s32 @!p0 s5, $0x0  }
0x1f: {  	s9 =	smul.u32 $0xF7A, s1;
	s8 =	simm.s32 @!p0 $0x1BF5;
	p2 =	por !p2, p0  }
0x20: {  	[sflag:s8] =	ssyncset.s32 @!p0 $0xFFFFF086;
	s6 =	sadd.s32 @!p0 s3, s7;
	s7 =	simm.s32 @!p0 $0x108  }
0x21: {  	s3 =	sadd.s32 s3, s9;
	s6 =	sadd.s32 @!p0 $0x88, s6;
	s7 =	simm.s32 @p2 $0x1082  }
0x22: {  	[simem:s7], [sflag:s8] =	dma.local @!p0 [hbm:s6], $0xF7A  }
0x23: {  	s9 =	sor.u32 $0xD0000000, s2;
	s6 =	simm.s32 $0x108;
	_ =	swait.ge @!p0 [sflag:s8], $0x0  }
0x24: {  	s3 =	sadd.s32 $0x88, s3;
	s6 =	simm.s32 @!p1 $0x1082;
	[sflag:s4] =	ssyncset.s32 $0xFFFFF086  }
0x25: {  	[simem:s6], [sflag:s4] =	dma.local [hbm:s3], $0xF7A  }
0x26: {  	[smem:$0x3F9F] =	sst s1;
	(tag) =	ssettag s2;
	_ =	strace s9  }
0x27: {  	s1 =	sld [smem:$0x3FAF]  }
0x28: {  	s2 =	sld [smem:$0x3FB0]  }
0x29: {  	s4 =	sld [smem:$0x3FB2]  }
0x2a: {  	p0 =	seq.s32 s5, $0x0;
	s5 =	sld [smem:$0x3FB3]  }
0x2b: {  	s6 =	sld [smem:$0x3FB4]  }
0x2c: {  	s7 =	sld [smem:$0x3FB5]  }
0x2d: {  	s3 =	simm.s32 $0x108;
	s8 =	sld [smem:$0x3FB6]  }
0x2e: {  	s3 =	simm.s32 @!p0 $0x1082;
	s9 =	sld [smem:$0x3FB7]  }
0x2f: {  	lr =	sadd.s32 s0, s3;
	s0 =	sld [smem:$0x3FAE]  }
0x30: {  	s3 =	sld [smem:$0x3FB1]  }
0x31: {  	[smem:$0x3FBA] =	sst s10  }
0x32: {  	s10 =	sld [smem:$0x3FB8];
	_ =	sdelay $0x3  }
0x33: {  	p0 =	seq.s32 s10, $0x1;
	s10 =	sld [smem:$0x3FBA];
	_ =	sdelay $0x3  }
0x34: {  	[smem:$0x3FBA] =	sst s10  }
0x35: {  	s10 =	sld [smem:$0x3FB9];
	_ =	sdelay $0x3  }
0x36: {  	p1 =	seq.s32 s10, $0x1;
	s10 =	sld [smem:$0x3FBA];
	_ =	sdelay $0x3  }
0x37: {  	[smem:$0x3FBA] =	sst s10  }
0x38: {  	s10 =	sld [smem:$0x3FBB]  }
0x39: {  	_ = 	snop;
	(pc) =	sbr.ind lr, $3  }
0x3a: {  	_ = 	snop  }
0x3b: {  	_ = 	snop  }
0x3c: {  	p2 =	seq.s32 s10, $0x1;
	s10 =	sld [smem:$0x3FBA]  }
0x3d: {  	_ =	shalt  }
0x3e: {  	_ =	shalt  }
0x3f: {  	_ =	shalt  }
0x40: {  	_ =	shalt  }
0x41: {  	_ =	shalt  }
0x42: {  	_ =	shalt  }
0x43: {  	_ =	shalt  }
0x44: {  	_ =	shalt  }
0x45: {  	_ =	shalt  }
0x46: {  	_ =	shalt  }
0x47: {  	_ =	shalt  }
0x48: {  	_ =	shalt  }
0x49: {  	_ =	shalt  }
0x4a: {  	_ =	shalt  }
0x4b: {  	_ =	shalt  }
0x4c: {  	_ =	shalt  }
0x4d: {  	_ =	shalt  }
0x4e: {  	_ =	shalt  }
0x4f: {  	_ =	shalt  }
0x50: {  	_ =	shalt  }
0x51: {  	_ =	shalt  }
0x52: {  	_ =	shalt  }
0x53: {  	_ =	shalt  }
0x54: {  	_ =	shalt  }
0x55: {  	_ =	shalt  }
0x56: {  	_ =	shalt  }
0x57: {  	_ =	shalt  }
0x58: {  	_ =	shalt  }
0x59: {  	_ =	shalt  }
0x5a: {  	_ =	shalt  }
0x5b: {  	_ =	shalt  }
0x5c: {  	_ =	shalt  }
0x5d: {  	_ =	shalt  }
0x5e: {  	_ =	shalt  }
0x5f: {  	_ =	shalt  }
0x60: {  	_ =	shalt  }
0x61: {  	_ =	shalt  }
0x62: {  	_ =	shalt  }
0x63: {  	_ =	shalt  }
0x64: {  	_ =	shalt  }
0x65: {  	_ =	shalt  }
0x66: {  	_ =	shalt  }
0x67: {  	_ =	shalt  }
0x68: {  	_ =	shalt  }
0x69: {  	_ =	shalt  }
0x6a: {  	_ =	shalt  }
0x6b: {  	_ =	shalt  }
0x6c: {  	_ =	shalt  }
0x6d: {  	_ =	shalt  }
0x6e: {  	_ =	shalt  }
0x6f: {  	_ =	shalt  }
0x70: {  	_ =	shalt  }
0x71: {  	_ =	shalt  }
0x72: {  	_ =	shalt  }
0x73: {  	_ =	shalt  }
0x74: {  	_ =	shalt  }
0x75: {  	_ =	shalt  }
0x76: {  	_ =	shalt  }
0x77: {  	_ =	shalt  }
0x78: {  	_ =	shalt  }
0x79: {  	_ =	shalt  }
0x7a: {  	_ =	shalt  }
0x7b: {  	_ =	shalt  }
0x7c: {  	_ =	shalt  }
0x7d: {  	_ =	shalt  }
0x7e: {  	_ =	shalt  }
0x7f: {  	_ =	shalt  }
0x80: {  	_ =	shalt  }
0x81: {  	_ =	shalt  }
0x82: {  	_ =	shalt  }
0x83: {  	_ =	shalt  }
0x84: {  	_ =	shalt  }
0x85: {  	_ =	shalt  }
0x86: {  	_ =	shalt  }
0x87: {  	_ =	shalt  }
.Lfunc_end0:
.L_simem_size_0:
called_computation.1_lowered:
.L_overlay_start_0:
0x88: {  	s2 =	sld [smem:$0x3FD9]  }
0x89: {  	s3 =	sld [smem:$0x3FFE];
	_ =	sdelay $0x1  }
0x8a: {  	s1 =	srdreg.scid  }
0x8b: {  	s0 =	sand.u32 $0x1, s1  }
0x8c: {  	s17 =	sshll.u32 s0, $0xA;
	s2 =	sadd.s32 s3, s2  }
0x8d: {  	s2 =	sadd.s32 s2, s17  }
0x8e: {  	[smem:$0x3FC6] =	sst s2  }
0x8f: {  	_ = 	snop  }
0x90: {  	s2 =	sld [smem:$0x3FD0];
	(tm) =	ssettm $0x1  }
0x91: {  	s18 =	sld [smem:$0x3FFB];
	_ =	sdelay $0x3  }
0x92: {  	_ =	strace s18  }
0x93: {  	s3 =	sld [smem:$0x3FFC];
	_ =	sdelay $0x3  }
0x94: {  	_ =	strace s3  }
0x95: {  	s3 =	sld [smem:$0x3FFD];
	_ =	sdelay $0x3  }
0x96: {  	_ =	strace s3  }
0x97: {  	_ =	strace $0x8FFFFFFF  }
0x98: {  	s19 =	sld [smem:$0x3FDB];
	_ =	sdelay $0x1  }
0x99: {  	s4 =	simm.s32 $_scs_section_size  }
0x9a: {  	s5 =	simm.s32 $_size__tile_overlayer_lowered;
	s6 =	simm.s32 $_tile_overlayer_lowered  }
0x9b: {  	s22 =	simm.s32 $0x1BFF;
	s21 =	sshll.u32 s6, $0x1;
	s3 =	sadd.s32 s4, s19  }
0x9c: {  	s7 =	simm.s32 $0x0;
	s20 =	sshll.u32 s5, $0x1;
	s5 =	sadd.s32 s21, s3  }
0x9d: {  	[timem:s7], [sflag:s22] =	dma.local [hbm:s5], s20  }
0x9e: {  	_ =	swait.ge [sflag:s22], s20  }
0x9f: {  	s4 =	ssub.s32 $0x0, s20;
	[sflag:s22] =	ssyncset.done $0x0  }
0xa0: {  	[sflag:s22] =	ssyncadd.s32 s4;
	_ =	sdelay $0x1  }
0xa1: {  	s23 =	simm.s32 $0x1B8B  }
0xa2: {  	_ =	swait.ge [sflag:s23], $0x1  }
0xa3: {  	[sflag:s23] =	ssyncset.done $0x0  }
0xa4: {  	s25 =	simm.s32 $0x1B8E;
	s24 =	sld [smem:$0x3FFE];
	[sflag:s23] =	ssyncadd.s32 $0xFFFFFFFF  }
0xa5: {  	s26 =	simm.s32 $execute0_lowered;
	[smem:$0x3FD2] =	sst s25  }
0xa6: {  	s5 =	sshll.u32 s26, $0x1;
	_ =	strace $0x80000046;
	[dreg:$0x1] =	wrdreg $0xFFFFFFFF  }
0xa7: {  	s28 =	simm.s32 $_size_execute0_lowered;
	s3 =	sadd.s32 s3, s5;
	[dreg:$0x0] =	wrdreg $0x0  }
0xa8: {  	s5 =	sshll.u32 s28, $0x1;
	[dreg:$0x2] =	wrdreg s3  }
0xa9: {  	[dreg:$0x3] =	wrdreg s5  }
0xaa: {  	[dreg:$0x4] =	wrdreg $0xC0  }
0xab: {  	_ =	task [dreg:s7], $0x5FFFF  }
0xac: {  	[dreg:$0x1] =	wrdreg $0xFFFFFFFF  }
0xad: {  	[dreg:$0x0] =	wrdreg $0x60  }
0xae: {  	[dreg:$0x2] =	wrdreg s24  }
0xaf: {  	[dreg:$0x3] =	wrdreg s2  }
0xb0: {  	[dreg:$0x4] =	wrdreg $0x9  }
0xb1: {  	_ =	task.clear_ibuf [dreg:s7], $0x5FFFF;
	_ =	strace $0x90000046  }
0xb2: {  	s29 =	simm.s32 $0x9;
	_ =	strace $0x80000048  }
0xb3: {  	_ =	swait.ge [sflag:s29], $0x1  }
0xb4: {  	[sflag:s29] =	ssyncadd.s32 $0xFFFFFFFF  }
0xb5: {  	_ =	strace $0x90000048  }
0xb6: {  	_ =	sfence  }
0xb7: {  	s30 =	sld [smem:$0x0];
	_ =	sdelay $0x2  }
0xb8: {  	s31 =	sshll.u32 s1, $0xD;
	s1 =	sshrl.u32 s1, $0x2  }
0xb9: {  	s3 =	sand.u32 $0x4000, s31;
	s1 =	sadd.s32 s1, s30  }
0xba: {  	s0 =	sor.u32 s3, s0;
	s1 =	sshll.u32 s1, $0x11  }
0xbb: {  	s0 =	sor.u32 s1, s0  }
0xbc: {  	s0 =	sadd.s32 $0x8F2B, s0  }
0xbd: {  	[sflag:s0] =	ssyncadd.remote.s32 $0x1  }
0xbe: {  	_ =	sfence.sel $0xFFFF  }
0xbf: {  	[dreg:$0x0] =	wrdreg $0xFFFFFFFF;
	(pc) =	sbr.abs _section_cstart, $3  }
0xc0: {  	[dreg:$0x1] =	wrdreg $0xFFFFFFFF  }
0xc1: {  	_ =	task.clear_ibuf [dreg:s7], $0x2FFFF;
	_ =	strace $0x9FFFFFFF  }
0xc2: {  	(tm) =	ssettm $0x7FFFFFFF  }
0xc3: {  	_ =	shalt  }
tec
execute0_lowered:
.L_overlay_start_1:
0x0: {  	(tag) =	ssettag $0x1  }
0x1: {  	s0 =	rddreg [dreg:$0x0]  }
0x2: {  	s1 =	srdreg.scid;
	s12 =	stileid.u32  }
0x3: {  	s4 =	rddreg [dreg:$0x1];
	s2 =	simm.s32 $0x0;
	s28 =	simm.s32 $0x960  }
0x4: {  	s29 =	simm.s32 $0x1;
	s1 =	sand.u32 $0x1, s1;
	s3 =	sshll.u32 s12, $0x1  }
0x5: {  	s30 =	simm.s32 $0xC80;
	s31 =	simm.s32 $0x2;
	s5 =	sor.u32 s1, s3  }
0x6: {  	[smem:$0x7FF] =	sst s2;
	s8 =	sadd.s32 $0x1800, s0;
	s7 =	smul.u32 $0x19000, s5  }
0x7: {  	s6 =	ssub.s32 $0x2, s1;
	_ =	strace $0x80000047;
	s11 =	smul.u32 $0x64000, s5  }
0x8: {  	s3 =	sadd.s32 $0x65800, s0;
	s9 =	sshrl.u32 s6, $0x1;
	s5 =	smul.u32 $0x320000, s5  }
0x9: {  	s1 =	smul.u32 $0x19000, s1;
	s0 =	ssub.s32 s6, s9;
	s18 =	sor.u32 $0x320, s7  }
0xa: {  	s19 =	sshrl.u32 s7, $0x3;
	s22 =	sadd.s32 s4, s11;
	s5 =	sshrl.u32 s5, $0x3  }
0xb: {  	s26 =	sadd.s32 $0x189C0, s7;
	s11 =	smul.u32 $0x32000, s12;
	s7 =	sadd.s32 $0x18CE0, s7  }
0xc: {  	s0 =	smax.u32 s0, $0x1;
	s10 =	sshrl.u32 s18, $0x3;
	[dreg:$0xb] =	wrdreg s22  }
0xd: {  	s9 =	sadd.s32 s8, s19;
	s6 =	sshll.u32 s18, $0x2;
	[dreg:$0x17] =	wrdreg s0  }
0xe: {  	s5 =	sadd.s32 s4, s5;
	s10 =	sadd.s32 s8, s10;
	[dreg:$0x7] =	wrdreg s9  }
0xf: {  	s12 =	sshrl.u32 s26, $0x3;
	s20 =	sadd.s32 $0xC8, s9;
	[dreg:$0x8] =	wrdreg s10  }
0x10: {  	s14 =	sshrl.u32 s7, $0x3;
	s21 =	sadd.s32 $0x12C, s9;
	[dreg:$0x9] =	wrdreg s20  }
0x11: {  	s16 =	sshll.u32 s26, $0x2;
	s23 =	sadd.s32 $0x190, s9;
	[dreg:$0xa] =	wrdreg s21  }
0x12: {  	s18 =	sshll.u32 s7, $0x2;
	s6 =	sadd.s32 s4, s6;
	[dreg:$0xc] =	wrdreg s23  }
0x13: {  	s7 =	simm.s32 $0x4;
	s24 =	sadd.s32 $0x1F4, s9;
	[dreg:$0xd] =	wrdreg s6  }
0x14: {  	s25 =	sadd.s32 $0x5F500, s5;
	s13 =	sadd.s32 $0x60180, s5;
	[dreg:$0xe] =	wrdreg s24  }
0x15: {  	s15 =	sadd.s32 $0x60E00, s5;
	s1 =	sadd.s32 s1, s11;
	[dreg:$0xf] =	wrdreg s25  }
0x16: {  	s5 =	sadd.s32 $0x61A80, s5;
	s9 =	simm.s32 $0x6;
	[dreg:$0x11] =	wrdreg s13  }
0x17: {  	s11 =	simm.s32 $0x7;
	s10 =	sadd.s32 s8, s12;
	[dreg:$0x13] =	wrdreg s15  }
0x18: {  	[dreg:$0x14] =	wrdreg s5;
	s17 =	sadd.s32 $0x1C20, s1;
	s5 =	sadd.s32 s4, s16  }
0x19: {  	s20 =	sshll.u32 s1, $0x2;
	s21 =	sadd.s32 $0x1900, s1;
	s23 =	sadd.s32 $0x15E0, s1  }
0x1a: {  	s1 =	sadd.s32 $0x12C0, s1;
	s12 =	simm.s32 $0xA;
	s13 =	simm.s32 $0x8  }
0x1b: {  	s15 =	simm.s32 $0xC;
	s16 =	simm.s32 $0x0;
	[dreg:$0x10] =	wrdreg s10  }
0x1c: {  	s10 =	sadd.s32 s8, s14;
	[dreg:$0x15] =	wrdreg s5;
	s6 =	sshrl.u32 s17, $0x3  }
0x1d: {  	s5 =	sadd.s32 s4, s18;
	s0 =	sadd.s32 s20, s4;
	s22 =	sshrl.u32 s21, $0x3  }
0x1e: {  	s1 =	sshrl.u32 s1, $0x3;
	s14 =	simm.s32 $0xB;
	[dreg:$0x12] =	wrdreg s10  }
0x1f: {  	[dreg:$0x16] =	wrdreg s5;
	s19 =	sadd.s32 s6, s8;
	s4 =	sadd.s32 s22, s8  }
0x20: {  	s5 =	sshrl.u32 s23, $0x3;
	s25 =	sadd.s32 $0x3E80, s0;
	[dreg:$0x3] =	wrdreg s19  }
0x21: {  	s1 =	sadd.s32 s1, s8;
	s26 =	sadd.s32 $0x2580, s0;
	[dreg:$0x4] =	wrdreg s4  }
0x22: {  	s23 =	sadd.s32 $0x1900, s0;
	s6 =	simm.s32 $0x5;
	[dreg:$0x18] =	wrdreg s25  }
0x23: {  	s10 =	simm.s32 $0x9;
	s24 =	sadd.s32 s5, s8;
	[dreg:$0x19] =	wrdreg s26  }
0x24: {  	[dreg:$0x6] =	wrdreg s1;
	s25 =	simm.s32 $0x320;
	s26 =	simm.s32 $0x640  }
0x25: {  	s1 =	simm.s32 $0x7080;
	s5 =	simm.s32 $0xD480;
	s8 =	simm.s32 $0x13880  }
0x26: {  	[dreg:$0x5] =	wrdreg s24;
	s24 =	sadd.s32 $0x3200, s0;
	s0 =	simm.s32 $0x3  }
.LBB2_1:
0x27: {  	s4 =	rddreg [dreg:$0x7]  }
0x28: {  	[tilespmem:s2], [sflag:$0x1] =	stream.linear.gather [hbm4b:s4+s2], $0x320, $0x38;
	[tilespmem:$0x19C80] =	vst v63  }
0x29: {  	s17 =	rddreg [dreg:$0x8]  }
0x2a: {  	[tilespmem:s25], [sflag:$0x2] =	stream.linear.gather [hbm4b:s17+s2], $0x320, $0x38;
	[tilespmem:$0x19C80] =	vst v63  }
0x2b: {  	s18 =	rddreg [dreg:$0x9]  }
0x2c: {  	[tilespmem:s26], [sflag:$0x3] =	stream.linear.gather [hbm4b:s18+s2], $0x320, $0x38;
	[tilespmem:$0x19C80] =	vst v63  }
0x2d: {  	s19 =	rddreg [dreg:$0xa]  }
0x2e: {  	[tilespmem:s28], [sflag:$0x4] =	stream.linear.gather [hbm4b:s19+s2], $0x320, $0x38;
	[tilespmem:$0x19C80] =	vst v63  }
0x2f: {  	_ =	swait.ge [sflag:s29], $0x320  }
0x30: {  	[sflag:s29] =	ssyncset.done $0x0  }
0x31: {  	[sflag:s29] =	ssyncadd.s32 $0xFFFFFCE0  }
0x32: {  	[tilespmem:s30], [sflag:$0x5] =	stream.indirect.gather [hbm4b:s3+s25], $0x20, s2, s25, $0xb8;
	[tilespmem:$0x19C80] =	vst v63  }
0x33: {  	_ =	swait.ge [sflag:s31], $0x320  }
0x34: {  	[sflag:s31] =	ssyncset.done $0x0  }
0x35: {  	[sflag:s31] =	ssyncadd.s32 $0xFFFFFCE0  }
0x36: {  	[tilespmem:s1], [sflag:$0x6] =	stream.indirect.gather [hbm4b:s3+s25], $0x20, s25, s25, $0xb8;
	[tilespmem:$0x19C80] =	vst v63  }
0x37: {  	_ =	swait.ge [sflag:s0], $0x320  }
0x38: {  	[sflag:s0] =	ssyncset.done $0x0  }
0x39: {  	[sflag:s0] =	ssyncadd.s32 $0xFFFFFCE0  }
0x3a: {  	[tilespmem:s5], [sflag:$0x7] =	stream.indirect.gather [hbm4b:s3+s25], $0x20, s26, s25, $0xb8;
	[tilespmem:$0x19C80] =	vst v63  }
0x3b: {  	_ =	swait.ge [sflag:s6], $0x6400  }
0x3c: {  	[sflag:s6] =	ssyncset.done $0x0  }
0x3d: {  	s20 =	rddreg [dreg:$0xb];
	[sflag:s6] =	ssyncadd.s32 $0xFFFF9C00  }
0x3e: {  	[hbm4b:s20+s2] =	stream.linear.scatter [tilespmem:s30], [sflag:$0x9], $0x6400, $0x38;
	[tilespmem:$0x19C80] =	vst v63  }
0x3f: {  	s21 =	rddreg [dreg:$0xc]  }
0x40: {  	[tilespmem:s2], [sflag:$0x1] =	stream.linear.gather [hbm4b:s21+s2], $0x320, $0x38;
	[tilespmem:$0x19C80] =	vst v63  }
0x41: {  	_ =	swait.ge [sflag:s7], $0x320  }
0x42: {  	[sflag:s7] =	ssyncset.done $0x0  }
0x43: {  	[sflag:s7] =	ssyncadd.s32 $0xFFFFFCE0  }
0x44: {  	[tilespmem:s8], [sflag:$0x8] =	stream.indirect.gather [hbm4b:s3+s25], $0x20, s28, s25, $0xb8;
	[tilespmem:$0x19C80] =	vst v63  }
0x45: {  	_ =	swait.ge [sflag:s9], $0x6400  }
0x46: {  	[sflag:s9] =	ssyncset.done $0x0  }
0x47: {  	s22 =	rddreg [dreg:$0xd];
	[sflag:s9] =	ssyncadd.s32 $0xFFFF9C00  }
0x48: {  	[hbm4b:s22+s2] =	stream.linear.scatter [tilespmem:s1], [sflag:$0xA], $0x6400, $0x38;
	[tilespmem:$0x19C80] =	vst v63  }
0x49: {  	s17 =	rddreg [dreg:$0xe]  }
0x4a: {  	[tilespmem:s25], [sflag:$0x2] =	stream.linear.gather [hbm4b:s17+s2], $0x320, $0x38;
	[tilespmem:$0x19C80] =	vst v63  }
0x4b: {  	_ =	swait.ge [sflag:s10], $0x6400  }
0x4c: {  	[sflag:s10] =	ssyncset.done $0x0  }
0x4d: {  	[sflag:s10] =	ssyncadd.s32 $0xFFFF9C00  }
0x4e: {  	_ =	swait.ge [sflag:s29], $0x320  }
0x4f: {  	[sflag:s29] =	ssyncset.done $0x0  }
0x50: {  	[sflag:s29] =	ssyncadd.s32 $0xFFFFFCE0  }
0x51: {  	[tilespmem:s30], [sflag:$0x5] =	stream.indirect.gather [hbm4b:s3+s25], $0x20, s2, s25, $0xb8;
	[tilespmem:$0x19C80] =	vst v63  }
0x52: {  	_ =	swait.ge [sflag:s11], $0x6400  }
0x53: {  	[sflag:s11] =	ssyncset.done $0x0  }
0x54: {  	s18 =	rddreg [dreg:$0x6];
	[sflag:s11] =	ssyncadd.s32 $0xFFFF9C00  }
0x55: {  	[hbm4b:s23+s2] =	stream.linear.scatter [tilespmem:s5], [sflag:$0xB], $0x6400, $0x38;
	[tilespmem:$0x19C80] =	vst v63  }
0x56: {  	s4 =	sadd.s32 $0x0, s18  }
0x57: {  	[tilespmem:s26], [sflag:$0x3] =	stream.linear.gather [hbm4b:s4+s2], $0x320, $0x38;
	[tilespmem:$0x19C80] =	vst v63  }
0x58: {  	_ =	swait.ge [sflag:s12], $0x6400  }
0x59: {  	[sflag:s12] =	ssyncset.done $0x0  }
0x5a: {  	[sflag:s12] =	ssyncadd.s32 $0xFFFF9C00  }
0x5b: {  	_ =	swait.ge [sflag:s31], $0x320  }
0x5c: {  	[sflag:s31] =	ssyncset.done $0x0  }
0x5d: {  	[sflag:s31] =	ssyncadd.s32 $0xFFFFFCE0  }
0x5e: {  	[tilespmem:s1], [sflag:$0x6] =	stream.indirect.gather [hbm4b:s3+s25], $0x20, s25, s25, $0xb8;
	[tilespmem:$0x19C80] =	vst v63  }
0x5f: {  	_ =	swait.ge [sflag:s13], $0x6400  }
0x60: {  	[sflag:s13] =	ssyncset.done $0x0;
	s19 =	rddreg [dreg:$0x5]  }
0x61: {  	s22 =	rddreg [dreg:$0x19];
	[sflag:s13] =	ssyncadd.s32 $0xFFFF9C00  }
0x62: {  	[hbm4b:s22+s2] =	stream.linear.scatter [tilespmem:s8], [sflag:$0xC], $0x6400, $0x38;
	[tilespmem:$0x19C80] =	vst v63  }
0x63: {  	s4 =	sadd.s32 $0x0, s19  }
0x64: {  	[tilespmem:s28], [sflag:$0x4] =	stream.linear.gather [hbm4b:s4+s2], $0x320, $0x38;
	[tilespmem:$0x19C80] =	vst v63  }
0x65: {  	_ =	swait.ge [sflag:s14], $0x6400  }
0x66: {  	[sflag:s14] =	ssyncset.done $0x0  }
0x67: {  	[sflag:s14] =	ssyncadd.s32 $0xFFFF9C00  }
0x68: {  	_ =	swait.ge [sflag:s0], $0x320  }
0x69: {  	[sflag:s0] =	ssyncset.done $0x0  }
0x6a: {  	[sflag:s0] =	ssyncadd.s32 $0xFFFFFCE0  }
0x6b: {  	[tilespmem:s5], [sflag:$0x7] =	stream.indirect.gather [hbm4b:s3+s25], $0x20, s26, s25, $0xb8;
	[tilespmem:$0x19C80] =	vst v63  }
0x6c: {  	_ =	swait.ge [sflag:s6], $0x6400  }
0x6d: {  	[sflag:s6] =	ssyncset.done $0x0  }
0x6e: {  	s20 =	rddreg [dreg:$0x4];
	[sflag:s6] =	ssyncadd.s32 $0xFFFF9C00  }
0x6f: {  	[hbm4b:s24+s2] =	stream.linear.scatter [tilespmem:s30], [sflag:$0x9], $0x6400, $0x38;
	[tilespmem:$0x19C80] =	vst v63  }
0x70: {  	s4 =	sadd.s32 $0x0, s20  }
0x71: {  	[tilespmem:s2], [sflag:$0x1] =	stream.linear.gather [hbm4b:s4+s2], $0x320, $0x38;
	[tilespmem:$0x19C80] =	vst v63  }
0x72: {  	_ =	swait.ge [sflag:s15], $0x6400  }
0x73: {  	[sflag:s15] =	ssyncset.done $0x0  }
0x74: {  	[sflag:s15] =	ssyncadd.s32 $0xFFFF9C00  }
0x75: {  	_ =	swait.ge [sflag:s7], $0x320  }
0x76: {  	[sflag:s7] =	ssyncset.done $0x0  }
0x77: {  	[sflag:s7] =	ssyncadd.s32 $0xFFFFFCE0  }
0x78: {  	[tilespmem:s8], [sflag:$0x8] =	stream.indirect.gather [hbm4b:s3+s25], $0x20, s28, s25, $0xb8;
	[tilespmem:$0x19C80] =	vst v63  }
0x79: {  	s17 =	simm.s32 $0x190;
	_ =	swait.ge [sflag:s9], $0x6400  }
0x7a: {  	s18 =	sadd.s32 $0x3200, s23;
	[sflag:s9] =	ssyncset.done $0x0;
	s21 =	rddreg [dreg:$0x3]  }
0x7b: {  	s19 =	sadd.s32 $0x3200, s24;
	s20 =	rddreg [dreg:$0x18];
	[sflag:s9] =	ssyncadd.s32 $0xFFFF9C00  }
0x7c: {  	[hbm4b:s20+s2] =	stream.linear.scatter [tilespmem:s1], [sflag:$0xA], $0x6400, $0x38;
	[tilespmem:$0x19C80] =	vst v63  }
0x7d: {  	s4 =	sadd.s32 $0x3200, s22;
	s21 =	sadd.s32 $0x0, s21;
	s20 =	sadd.s32 $0x3200, s20  }
.LBB2_2:
0x7e: {  	[tilespmem:s25], [sflag:$0x2] =	stream.linear.gather [hbm4b:s21+s2], $0x320, $0x38;
	[tilespmem:$0x19C80] =	vst v63  }
0x7f: {  	_ =	swait.ge [sflag:s10], $0x6400  }
0x80: {  	[sflag:s10] =	ssyncset.done $0x0  }
0x81: {  	[sflag:s10] =	ssyncadd.s32 $0xFFFF9C00  }
0x82: {  	_ =	swait.ge [sflag:s29], $0x320  }
0x83: {  	[sflag:s29] =	ssyncset.done $0x0  }
0x84: {  	[sflag:s29] =	ssyncadd.s32 $0xFFFFFCE0  }
0x85: {  	[tilespmem:s30], [sflag:$0x5] =	stream.indirect.gather [hbm4b:s3+s25], $0x20, s2, s25, $0xb8;
	[tilespmem:$0x19C80] =	vst v63  }
0x86: {  	_ =	swait.ge [sflag:s11], $0x6400  }
0x87: {  	[sflag:s11] =	ssyncset.done $0x0  }
0x88: {  	s21 =	smov.u32 s17;
	s22 =	rddreg [dreg:$0x6];
	[sflag:s11] =	ssyncadd.s32 $0xFFFF9C00  }
0x89: {  	[hbm4b:s18+s2] =	stream.linear.scatter [tilespmem:s5], [sflag:$0xB], $0x6400, $0x38;
	[tilespmem:$0x19C80] =	vst v63  }
0x8a: {  	s22 =	sadd.s32 s21, s22  }
0x8b: {  	[tilespmem:s26], [sflag:$0x3] =	stream.linear.gather [hbm4b:s22+s2], $0x320, $0x38;
	[tilespmem:$0x19C80] =	vst v63  }
0x8c: {  	_ =	swait.ge [sflag:s12], $0x6400  }
0x8d: {  	[sflag:s12] =	ssyncset.done $0x0  }
0x8e: {  	[sflag:s12] =	ssyncadd.s32 $0xFFFF9C00  }
0x8f: {  	_ =	swait.ge [sflag:s31], $0x320  }
0x90: {  	[sflag:s31] =	ssyncset.done $0x0  }
0x91: {  	[sflag:s31] =	ssyncadd.s32 $0xFFFFFCE0  }
0x92: {  	[tilespmem:s1], [sflag:$0x6] =	stream.indirect.gather [hbm4b:s3+s25], $0x20, s25, s25, $0xb8;
	[tilespmem:$0x19C80] =	vst v63  }
0x93: {  	_ =	swait.ge [sflag:s13], $0x6400  }
0x94: {  	[sflag:s13] =	ssyncset.done $0x0  }
0x95: {  	s22 =	rddreg [dreg:$0x5];
	[sflag:s13] =	ssyncadd.s32 $0xFFFF9C00  }
0x96: {  	[hbm4b:s4+s2] =	stream.linear.scatter [tilespmem:s8], [sflag:$0xC], $0x6400, $0x38;
	[tilespmem:$0x19C80] =	vst v63  }
0x97: {  	s22 =	sadd.s32 s21, s22  }
0x98: {  	[tilespmem:s28], [sflag:$0x4] =	stream.linear.gather [hbm4b:s22+s2], $0x320, $0x38;
	[tilespmem:$0x19C80] =	vst v63  }
0x99: {  	_ =	swait.ge [sflag:s14], $0x6400  }
0x9a: {  	[sflag:s14] =	ssyncset.done $0x0  }
0x9b: {  	[sflag:s14] =	ssyncadd.s32 $0xFFFF9C00  }
0x9c: {  	_ =	swait.ge [sflag:s0], $0x320  }
0x9d: {  	[sflag:s0] =	ssyncset.done $0x0  }
0x9e: {  	[sflag:s0] =	ssyncadd.s32 $0xFFFFFCE0  }
0x9f: {  	[tilespmem:s5], [sflag:$0x7] =	stream.indirect.gather [hbm4b:s3+s25], $0x20, s26, s25, $0xb8;
	[tilespmem:$0x19C80] =	vst v63  }
0xa0: {  	_ =	swait.ge [sflag:s6], $0x6400  }
0xa1: {  	[sflag:s6] =	ssyncset.done $0x0  }
0xa2: {  	s22 =	rddreg [dreg:$0x4];
	[sflag:s6] =	ssyncadd.s32 $0xFFFF9C00  }
0xa3: {  	[hbm4b:s19+s2] =	stream.linear.scatter [tilespmem:s30], [sflag:$0x9], $0x6400, $0x38;
	[tilespmem:$0x19C80] =	vst v63  }
0xa4: {  	s22 =	sadd.s32 s21, s22  }
0xa5: {  	[tilespmem:s2], [sflag:$0x1] =	stream.linear.gather [hbm4b:s22+s2], $0x320, $0x38;
	[tilespmem:$0x19C80] =	vst v63  }
0xa6: {  	_ =	swait.ge [sflag:s15], $0x6400  }
0xa7: {  	[sflag:s15] =	ssyncset.done $0x0  }
0xa8: {  	[sflag:s15] =	ssyncadd.s32 $0xFFFF9C00  }
0xa9: {  	_ =	swait.ge [sflag:s7], $0x320  }
0xaa: {  	[sflag:s7] =	ssyncset.done $0x0  }
0xab: {  	p0 =	sne.s32 s17, $0x2D50;
	[sflag:s7] =	ssyncadd.s32 $0xFFFFFCE0  }
0xac: {  	[tilespmem:s8], [sflag:$0x8] =	stream.indirect.gather [hbm4b:s3+s25], $0x20, s28, s25, $0xb8;
	[tilespmem:$0x19C80] =	vst v63  }
.Ltmp0:
0xad: {  	_ =	swait.ge [sflag:s9], $0x6400;
	(pc) =	sbr.rel @p0 .LBB2_2-.Ltmp0, $4  }
0xae: {  	s17 =	sadd.s32 $0x190, s17;
	s18 =	sadd.s32 $0x3200, s18;
	[sflag:s9] =	ssyncset.done $0x0  }
0xaf: {  	s4 =	sadd.s32 $0x3200, s4;
	s22 =	rddreg [dreg:$0x3];
	[sflag:s9] =	ssyncadd.s32 $0xFFFF9C00  }
0xb0: {  	[hbm4b:s20+s2] =	stream.linear.scatter [tilespmem:s1], [sflag:$0xA], $0x6400, $0x38;
	[tilespmem:$0x19C80] =	vst v63  }
0xb1: {  	s19 =	sadd.s32 $0x3200, s19;
	s21 =	sadd.s32 s21, s22;
	s20 =	sadd.s32 $0x3200, s20  }
0xb2: {  	[tilespmem:s25], [sflag:$0x2] =	stream.linear.gather [hbm4b:s21+s2], $0x320, $0x38;
	[tilespmem:$0x19C80] =	vst v63  }
0xb3: {  	_ =	swait.ge [sflag:s10], $0x6400  }
0xb4: {  	[sflag:s10] =	ssyncset.done $0x0  }
0xb5: {  	[sflag:s10] =	ssyncadd.s32 $0xFFFF9C00  }
0xb6: {  	_ =	swait.ge [sflag:s29], $0x320  }
0xb7: {  	[sflag:s29] =	ssyncset.done $0x0  }
0xb8: {  	[sflag:s29] =	ssyncadd.s32 $0xFFFFFCE0  }
0xb9: {  	[tilespmem:s30], [sflag:$0x5] =	stream.indirect.gather [hbm4b:s3+s25], $0x20, s2, s25, $0xb8;
	[tilespmem:$0x19C80] =	vst v63  }
0xba: {  	_ =	swait.ge [sflag:s11], $0x6400  }
0xbb: {  	[sflag:s11] =	ssyncset.done $0x0  }
0xbc: {  	s4 =	rddreg [dreg:$0xf];
	[sflag:s11] =	ssyncadd.s32 $0xFFFF9C00  }
0xbd: {  	[hbm4b:s4+s2] =	stream.linear.scatter [tilespmem:s5], [sflag:$0xB], $0x6400, $0x38;
	[tilespmem:$0x19C80] =	vst v63  }
0xbe: {  	s21 =	rddreg [dreg:$0x10]  }
0xbf: {  	[tilespmem:s26], [sflag:$0x3] =	stream.linear.gather [hbm4b:s21+s2], $0x320, $0x38;
	[tilespmem:$0x19C80] =	vst v63  }
0xc0: {  	_ =	swait.ge [sflag:s12], $0x6400  }
0xc1: {  	[sflag:s12] =	ssyncset.done $0x0  }
0xc2: {  	[sflag:s12] =	ssyncadd.s32 $0xFFFF9C00  }
0xc3: {  	_ =	swait.ge [sflag:s31], $0x320  }
0xc4: {  	[sflag:s31] =	ssyncset.done $0x0  }
0xc5: {  	[sflag:s31] =	ssyncadd.s32 $0xFFFFFCE0  }
0xc6: {  	[tilespmem:s1], [sflag:$0x6] =	stream.indirect.gather [hbm4b:s3+s25], $0x20, s25, s25, $0xb8;
	[tilespmem:$0x19C80] =	vst v63  }
0xc7: {  	_ =	swait.ge [sflag:s13], $0x6400  }
0xc8: {  	[sflag:s13] =	ssyncset.done $0x0  }
0xc9: {  	s22 =	rddreg [dreg:$0x11];
	[sflag:s13] =	ssyncadd.s32 $0xFFFF9C00  }
0xca: {  	[hbm4b:s22+s2] =	stream.linear.scatter [tilespmem:s8], [sflag:$0xC], $0x6400, $0x38;
	[tilespmem:$0x19C80] =	vst v63  }
0xcb: {  	s17 =	rddreg [dreg:$0x12]  }
0xcc: {  	[tilespmem:s28], [sflag:$0x4] =	stream.linear.gather [hbm4b:s17+s2], $0x320, $0x38;
	[tilespmem:$0x19C80] =	vst v63  }
0xcd: {  	_ =	swait.ge [sflag:s14], $0x6400  }
0xce: {  	[sflag:s14] =	ssyncset.done $0x0  }
0xcf: {  	[sflag:s14] =	ssyncadd.s32 $0xFFFF9C00  }
0xd0: {  	_ =	swait.ge [sflag:s0], $0x320  }
0xd1: {  	[sflag:s0] =	ssyncset.done $0x0  }
0xd2: {  	[sflag:s0] =	ssyncadd.s32 $0xFFFFFCE0  }
0xd3: {  	[tilespmem:s5], [sflag:$0x7] =	stream.indirect.gather [hbm4b:s3+s25], $0x20, s26, s25, $0xb8;
	[tilespmem:$0x19C80] =	vst v63  }
0xd4: {  	_ =	swait.ge [sflag:s6], $0x6400  }
0xd5: {  	[sflag:s6] =	ssyncset.done $0x0  }
0xd6: {  	s18 =	rddreg [dreg:$0x13];
	[sflag:s6] =	ssyncadd.s32 $0xFFFF9C00  }
0xd7: {  	[hbm4b:s18+s2] =	stream.linear.scatter [tilespmem:s30], [sflag:$0x9], $0x6400, $0x38;
	[tilespmem:$0x19C80] =	vst v63  }
0xd8: {  	_ =	swait.ge [sflag:s15], $0x6400  }
0xd9: {  	[sflag:s15] =	ssyncset.done $0x0  }
0xda: {  	[sflag:s15] =	ssyncadd.s32 $0xFFFF9C00  }
0xdb: {  	_ =	swait.ge [sflag:s7], $0x320  }
0xdc: {  	[sflag:s7] =	ssyncset.done $0x0  }
0xdd: {  	[sflag:s7] =	ssyncadd.s32 $0xFFFFFCE0  }
0xde: {  	[tilespmem:s8], [sflag:$0x8] =	stream.indirect.gather [hbm4b:s3+s25], $0x20, s28, s25, $0xb8;
	[tilespmem:$0x19C80] =	vst v63  }
0xdf: {  	_ =	swait.ge [sflag:s9], $0x6400  }
0xe0: {  	[sflag:s9] =	ssyncset.done $0x0  }
0xe1: {  	s19 =	rddreg [dreg:$0x14];
	[sflag:s9] =	ssyncadd.s32 $0xFFFF9C00  }
0xe2: {  	[hbm4b:s19+s2] =	stream.linear.scatter [tilespmem:s1], [sflag:$0xA], $0x6400, $0x38;
	[tilespmem:$0x19C80] =	vst v63  }
0xe3: {  	_ =	swait.ge [sflag:s11], $0x6400  }
0xe4: {  	[sflag:s11] =	ssyncset.done $0x0  }
0xe5: {  	s20 =	rddreg [dreg:$0x15];
	[sflag:s11] =	ssyncadd.s32 $0xFFFF9C00  }
0xe6: {  	[hbm4b:s20+s2] =	stream.linear.scatter [tilespmem:s5], [sflag:$0xB], $0x6400, $0x38;
	[tilespmem:$0x19C80] =	vst v63  }
0xe7: {  	_ =	swait.ge [sflag:s13], $0x6400  }
0xe8: {  	[sflag:s13] =	ssyncset.done $0x0  }
0xe9: {  	s21 =	rddreg [dreg:$0x16];
	[sflag:s13] =	ssyncadd.s32 $0xFFFF9C00  }
0xea: {  	[hbm4b:s21+s2] =	stream.linear.scatter [tilespmem:s8], [sflag:$0xC], $0x6400, $0x38;
	[tilespmem:$0x19C80] =	vst v63  }
0xeb: {  	_ =	swait.ge [sflag:s10], $0x6400  }
0xec: {  	[sflag:s10] =	ssyncset.done $0x0  }
0xed: {  	[sflag:s10] =	ssyncadd.s32 $0xFFFF9C00  }
0xee: {  	_ =	swait.ge [sflag:s12], $0x6400  }
0xef: {  	[sflag:s12] =	ssyncset.done $0x0  }
0xf0: {  	[sflag:s12] =	ssyncadd.s32 $0xFFFF9C00  }
0xf1: {  	_ =	swait.ge [sflag:s14], $0x6400  }
0xf2: {  	[sflag:s14] =	ssyncset.done $0x0  }
0xf3: {  	[sflag:s14] =	ssyncadd.s32 $0xFFFF9C00  }
0xf4: {  	_ =	swait.ge [sflag:s15], $0x6400  }
0xf5: {  	s16 =	sadd.s32 $0x1, s16;
	s22 =	rddreg [dreg:$0x17]  }
0xf6: {  	p0 =	sne.s32 s16, s22  }
.Ltmp1:
0xf7: {  	_ = 	snop;
	(pc) =	sbr.rel @p0 .LBB2_1-.Ltmp1, $3  }
0xf8: {  	_ =	sdelay $0x1  }
0xf9: {  	[sflag:s15] =	ssyncset.done $0x0  }
0xfa: {  	[sflag:s15] =	ssyncadd.s32 $0xFFFF9C00  }
0xfb: {  	_ =	sfence.sel $0x180000  }
0xfc: {  	[bflag:$0x0] =	sbarrier.arrive $0xFFFF  }
0xfd: {  	_ =	strace $0x90000047  }
0xfe: {  	s0 =	stileid.u32;
	[bflag:$0x2] =	sbarrier.arrive $0xFFFF  }
0xff: {  	p0 =	sne.s32 s0, $0x0;
	s0 =	rddreg [dreg:$0x2]  }
0x100: {  	s0 =	sadd.s32 @!p0 $0x100000, s0  }
0x101: {  	[sflag:s0] =	ssyncadd.tile.s32 @!p0 $0x1;
	_ =	shalt  }
.Lfunc_end2:
_tile_overlayer_lowered:
.L_overlay_start_2:
0x102: {  	(tag) =	ssettag $0x2  }
0x103: {  	s0 =	rddreg [dreg:$0x0];
	s2 =	stileid.u32  }
0x104: {  	s1 =	rddreg [dreg:$0x1];
	p0 =	sne.s32 s2, $0x0  }
0x105: {  	s3 =	rddreg [dreg:$0x2];
	[bflag:$0x3] =	sbarrier.arrive $0xFFFF;
	s2 =	simm.s32 @!p0 $0x1C0D  }
0x106: {  	[timem:s3], [sflag:s2] =	dma.local @!p0 [hbm:s0], s1  }
0x107: {  	s0 =	simm.s32 @!p0 $0xD  }
0x108: {  	_ =	swait.ge @!p0 [sflag:s0], s1  }
0x109: {  	s1 =	ssub.s32 @!p0 $0x0, s1;
	[sflag:s0] =	ssyncset.done @!p0 $0x0  }
0x10a: {  	[sflag:s0] =	ssyncadd.s32 @!p0 s1  }
0x10b: {  	[bflag:$0x3] =	sbarrier.arrive $0xFFFF  }
0x10c: {  	_ =	shalt  }

// kernel: sparse-core-data-format-call.cloned.1.call-start
scs
called_computation_lowered:
.L_overlay_start_0:
0x0: {  	s2 =	sld [smem:$0x3FD9]  }
0x1: {  	s3 =	sld [smem:$0x3FFE];
	_ =	sdelay $0x1  }
0x2: {  	s1 =	srdreg.scid  }
0x3: {  	s0 =	sand.u32 $0x1, s1  }
0x4: {  	s18 =	sshll.u32 s0, $0xA;
	s2 =	sadd.s32 s3, s2  }
0x5: {  	s2 =	sadd.s32 s2, s18  }
0x6: {  	[smem:$0x3FC6] =	sst s2  }
0x7: {  	_ = 	snop  }
0x8: {  	s2 =	sld [smem:$0x3FD0];
	(tm) =	ssettm $0x1  }
0x9: {  	s19 =	sld [smem:$0x3FFB];
	_ =	sdelay $0x3  }
0xa: {  	_ =	strace s19  }
0xb: {  	s3 =	sld [smem:$0x3FFC];
	_ =	sdelay $0x3  }
0xc: {  	_ =	strace s3  }
0xd: {  	s3 =	sld [smem:$0x3FFD];
	_ =	sdelay $0x3  }
0xe: {  	_ =	strace s3  }
0xf: {  	_ =	strace $0x8FFFFFFF  }
0x10: {  	s20 =	sld [smem:$0x3FDB];
	_ =	sdelay $0x1  }
0x11: {  	s4 =	simm.s32 $_scs_section_size  }
0x12: {  	s5 =	simm.s32 $_size__tile_overlayer_lowered;
	s6 =	simm.s32 $_tile_overlayer_lowered  }
0x13: {  	s23 =	simm.s32 $0x1BFF;
	s22 =	sshll.u32 s6, $0x1;
	s3 =	sadd.s32 s4, s20  }
0x14: {  	s7 =	simm.s32 $0x0;
	s21 =	sshll.u32 s5, $0x1;
	s5 =	sadd.s32 s22, s3  }
0x15: {  	[timem:s7], [sflag:s23] =	dma.local [hbm:s5], s21  }
0x16: {  	_ =	swait.ge [sflag:s23], s21  }
0x17: {  	s4 =	ssub.s32 $0x0, s21;
	[sflag:s23] =	ssyncset.done $0x0  }
0x18: {  	[sflag:s23] =	ssyncadd.s32 s4;
	_ =	sdelay $0x1  }
0x19: {  	s24 =	simm.s32 $0x1B8B  }
0x1a: {  	_ =	swait.ge [sflag:s24], $0x1  }
0x1b: {  	[sflag:s24] =	ssyncset.done $0x0  }
0x1c: {  	s26 =	simm.s32 $0x1B8E;
	s25 =	sld [smem:$0x3FFE];
	[sflag:s24] =	ssyncadd.s32 $0xFFFFFFFF  }
0x1d: {  	s27 =	simm.s32 $execute0_lowered;
	[smem:$0x3FD2] =	sst s26  }
0x1e: {  	s5 =	sshll.u32 s27, $0x1;
	_ =	strace $0x80000049;
	[dreg:$0x1] =	wrdreg $0xFFFFFFFF  }
0x1f: {  	s28 =	simm.s32 $_size_execute0_lowered;
	s3 =	sadd.s32 s3, s5;
	[dreg:$0x0] =	wrdreg $0x0  }
0x20: {  	s5 =	sshll.u32 s28, $0x1;
	[dreg:$0x2] =	wrdreg s3  }
0x21: {  	[dreg:$0x3] =	wrdreg s5  }
0x22: {  	[dreg:$0x4] =	wrdreg $0xC0  }
0x23: {  	_ =	task [dreg:s7], $0x5FFFF  }
0x24: {  	[dreg:$0x1] =	wrdreg $0xFFFFFFFF  }
0x25: {  	[dreg:$0x0] =	wrdreg $0x60  }
0x26: {  	[dreg:$0x2] =	wrdreg s25  }
0x27: {  	[dreg:$0x3] =	wrdreg s2  }
0x28: {  	[dreg:$0x4] =	wrdreg $0x9  }
0x29: {  	_ =	task.clear_ibuf [dreg:s7], $0x5FFFF;
	_ =	strace $0x90000049  }
0x2a: {  	s29 =	simm.s32 $0x9;
	_ =	strace $0x8000004B  }
0x2b: {  	_ =	swait.ge [sflag:s29], $0x1  }
0x2c: {  	[sflag:s29] =	ssyncadd.s32 $0xFFFFFFFF  }
0x2d: {  	_ =	strace $0x9000004B  }
0x2e: {  	_ =	sfence  }
0x2f: {  	s30 =	sld [smem:$0x0];
	_ =	sdelay $0x2  }
0x30: {  	s31 =	sshll.u32 s1, $0xD;
	s1 =	sshrl.u32 s1, $0x2  }
0x31: {  	s3 =	sand.u32 $0x4000, s31;
	s1 =	sadd.s32 s1, s30  }
0x32: {  	s0 =	sor.u32 s3, s0;
	s1 =	sshll.u32 s1, $0x11  }
0x33: {  	s0 =	sor.u32 s1, s0  }
0x34: {  	s0 =	sadd.s32 $0x8F2B, s0  }
0x35: {  	[sflag:s0] =	ssyncadd.remote.s32 $0x1  }
0x36: {  	_ =	sfence.sel $0xFFFF  }
0x37: {  	[dreg:$0x0] =	wrdreg $0xFFFFFFFF;
	(pc) =	sbr.abs _section_cstart, $3  }
0x38: {  	[dreg:$0x1] =	wrdreg $0xFFFFFFFF  }
0x39: {  	_ =	task.clear_ibuf [dreg:s7], $0x2FFFF;
	_ =	strace $0x9FFFFFFF  }
0x3a: {  	(tm) =	ssettm $0x7FFFFFFF  }
0x3b: {  	_ =	shalt  }
tec
execute0_lowered:
.L_overlay_start_1:
0x0: {  	(tag) =	ssettag $0x1  }
0x1: {  	s0 =	srdreg.scid  }
0x2: {  	s1 =	sshll.u32 s0, $0x4  }
0x3: {  	s0 =	stileid.u32;
	s1 =	sand.u32 $0x10, s1  }
0x4: {  	s1 =	sor.u32 s0, s1  }
0x5: {  	s6 =	rddreg [dreg:$0x0];
	s4 =	simm.s32 $0x1;
	s2 =	sshll.u32 s1, $0x7  }
0x6: {  	s7 =	simm.s32 $0x2;
	s12 =	simm.s32 $0x0;
	s1 =	ssub.s32 $0x4000, s2  }
0x7: {  	s8 =	simm.s32 $0x20000;
	s13 =	simm.s32 $0x0;
	s3 =	sand.u32 $0xF80, s1  }
0x8: {  	s9 =	simm.s32 $0x0;
	s5 =	sshrl.u32 s1, $0xC;
	p0 =	sne.s32 s3, $0x0  }
.Ltmp0:
0x9: {  	s1 =	rddreg [dreg:$0x2];
	s4 =	simm.s32 @!p0 $0x0;
	(pc) =	sbr.rel .LBB1_1-.Ltmp0, $4  }
0xa: {  	s11 =	simm.s32 $0x0;
	s3 =	rddreg [dreg:$0x1];
	s5 =	sadd.s32 s4, s5  }
0xb: {  	_ =	strace $0x8000004A;
	s4 =	simm.s32 $0x1;
	s5 =	smul.u32 $0xC8, s5  }
0xc: {  	s6 =	sadd.s32 $0x1800, s6;
	s10 =	smov.u32 s2;
	[sflag:s4] =	ssyncpa.u1 $0x0  }
0xd: {  	p0 =	por $0x0, $0x0;
	[sflag:s7] =	ssyncpa.u1 $0x0;
	s7 =	sor.u32 $0x1, s5  }
.LBB1_4:
0xe: {  	s16 =	sshll.u32 s13, $0x3;
	s17 =	sand.u32 $0x78, s13  }
0xf: {  	s30 =	sand.u32 $0xF800, s13;
	s12 =	sshll.u32 s12, $0x10;
	s16 =	sand.u32 $0x3C00, s16  }
0x10: {  	s31 =	sand.u32 $0x7, s13;
	s16 =	sor.u32 s17, s16;
	s17 =	sadd.s32 s3, s30  }
0x11: {  	s13 =	sshll.u32 s31, $0x12;
	s16 =	sshrl.u32 s16, $0x3;
	s12 =	sadd.s32 s12, s17  }
0x12: {  	[tilespmem:s15+$0x0 ss:$0x81] =	vst.msk $0xffff, v0;
	s13 =	sor.u32 $0x400, s13;
	s12 =	sadd.s32 s16, s12  }
0x13: {  	[hbm4b:s12+s13] =	stream.strided.scatter [tilespmem:s14], [sflag:$0x2], $0x1000, s8, s13, $0x20;
	[tilespmem:$0x4040] =	vst v63  }
.LBB1_5:
0x14: {  	s14 =	sadd.s32 $0x1, s9  }
0x15: {  	s12 =	sadd.s32 $0x1000, s10;
	s16 =	smov.u32 s10;
	p2 =	sgt.s32 s14, $0xC7  }
0x16: {  	s16 =	smov.u32 @p2 s12  }
0x17: {  	s14 =	simm.s32 @p2 $0x0;
	p2 =	sgt.s32 s16, $0x3FFF  }
0x18: {  	s16 =	smov.u32 @p2 s2;
	p2 =	sne.s32 s11, s7  }
.Ltmp1:
0x19: {  	p1 =	slt.u32 s11, $0x2;
	(pc) =	sbr.rel @!p2 .LBB1_6-.Ltmp1, $4  }
0x1a: {  	s15 =	simm.s32 @!p1 $0x2  }
0x1b: {  	s13 =	smov.u32 s10;
	p0 =	por !p0, !p0;
	_ =	swait.ge @!p1 [sflag:s15], $0x1000  }
0x1c: {  	s12 =	smov.u32 s9;
	[sflag:s15] =	ssyncset.done @!p1 $0x0;
	s9 =	smov.u32 s14  }
0x1d: {  	s11 =	sadd.s32 $0x1, s11;
	[sflag:s15] =	ssyncadd.s32 @!p1 $0xFFFFF000;
	s10 =	smov.u32 s16  }
.LBB1_1:
0x1e: {  	p1 =	sge.u32 s11, s5  }
0x1f: {  	s14 =	sand.u32 @!p1 $0x1FFFFFF, s9  }
0x20: {  	s15 =	smulhi.u32 @!p1 $0x147AE15, s14;
	_ =	sdelay $0x1  }
0x21: {  	s15 =	smul.u32 @!p1 $0xC8, s15  }
0x22: {  	s16 =	sxor.u32 @!p1 $0xFFFFFFFF, s11;
	s17 =	smul.u32 @!p1 $0xC80, s10  }
0x23: {  	s31 =	sadd.s32 $0xFFFFFFFF, s11;
	s16 =	sshll.u32 @!p1 s16, $0xC;
	s14 =	ssub.s32 @!p1 s14, s15  }
0x24: {  	s15 =	sand.u32 @!p1 $0x1000, s16;
	s16 =	sadd.s32 @!p1 s6, s17;
	s14 =	sshll.u32 @!p1 s14, $0x4  }
0x25: {  	s17 =	simm.s32 @!p1 $0x6400;
	s14 =	sadd.s32 @!p1 s14, s16;
	s16 =	simm.s32 @!p1 $0x20  }
0x26: {  	[tilespmem:s15], [sflag:$0x1] =	stream.strided.gather @!p1 [hbm4b:s14+s16], $0x1000, s17, s16, $0x38;
	[tilespmem:$0x4040] =	vst v63  }
0x27: {  	p1 =	sge.u32 s31, s5  }
.Ltmp2:
0x28: {  	_ = 	snop;
	(pc) =	sbr.rel @p1 .LBB1_5-.Ltmp2, $1  }
0x29: {  	_ =	sdelay $0x3  }
0x2a: {  	s14 =	simm.s32 $0x1  }
0x2b: {  	_ =	swait.ge [sflag:s4], $0x1000;
	s14 =	simm.s32 @!p0 $0x0  }
0x2c: {  	[sflag:s4] =	ssyncset.done $0x0;
	s15 =	sshll.u32 s14, $0xC  }
0x2d: {  	[sflag:s4] =	ssyncadd.s32 $0xFFFFF000;
	s18 =	sor.u32 $0x10, s15  }
0x2e: {  	s14 =	smul.u32 $0x4080, s14;
	v1 =	vld [tilespmem:s18+$0x0]  }
0x2f: {  	s30 =	sand.u32 $0x1, s11;
	v0 =	vld [tilespmem:s18+$0xFFFFFFF0]  }
0x30: {  	s15 =	smul.u32 $0x4080, s30;
	s14 =	sshrl.u32 s14, $0x2  }
0x31: {  	s16 =	sor.u32 $0x2000, s14  }
0x32: {  	s31 =	sshrl.u32 s15, $0x2;
	s15 =	sadd.s32 $0x0, s16  }
0x33: {  	s17 =	simm.s32 $0x4;
	s18 =	sadd.s32 $0x20, s18;
	s14 =	sor.u32 $0x2000, s31;
	[tilespmem:s15+$0x810 ss:$0x81] =	vst.msk $0xffff, v1  }
.LBB1_3:
0x34: {  	v1 =	vld [tilespmem:s18+$0x0];
	p1 =	sne.s32 s17, $0x1FC;
	[tilespmem:s15+$0x0 ss:$0x81] =	vst.msk $0xffff, v0;
	s15 =	smov.u32 s17;
	s17 =	sadd.s32 $0x4, s17  }
.Ltmp3:
0x35: {  	v0 =	vld [tilespmem:s18+$0xFFFFFFF0];
	(pc) =	sbr.rel @p1 .LBB1_3-.Ltmp3, $4  }
0x36: {  	_ = 	snop  }
0x37: {  	s15 =	sshra.s32 s15, $0x2  }
0x38: {  	s15 =	sadd.s32 s15, s16  }
0x39: {  	s18 =	sadd.s32 $0x20, s18;
	[tilespmem:s15+$0x810 ss:$0x81] =	vst.msk $0xffff, v1  }
.Ltmp4:
0x3a: {  	_ = 	snop;
	(pc) =	sbr.rel .LBB1_4-.Ltmp4, $1  }
0x3b: {  	_ =	sdelay $0x3  }
.LBB1_6:
0x3c: {  	_ =	sfence.sel $0x180000  }
0x3d: {  	s2 =	simm.s32 $0x1;
	[bflag:$0x0] =	sbarrier.arrive $0xFFFF  }
0x3e: {  	s31 =	simm.s32 $0x2;
	[sflag:s2] =	ssyncpa.u1 $0x1  }
0x3f: {  	[sflag:s31] =	ssyncpa.u1 $0x1  }
0x40: {  	p0 =	sne.s32 s0, $0x0;
	_ =	strace $0x9000004A  }
0x41: {  	s0 =	sadd.s32 @!p0 $0x100000, s1;
	[bflag:$0x2] =	sbarrier.arrive $0xFFFF  }
0x42: {  	[sflag:s0] =	ssyncadd.tile.s32 @!p0 $0x1;
	_ =	shalt  }
.Lfunc_end1:
_tile_overlayer_lowered:
.L_overlay_start_2:
0x43: {  	(tag) =	ssettag $0x2  }
0x44: {  	s0 =	rddreg [dreg:$0x0];
	s2 =	stileid.u32  }
0x45: {  	s1 =	rddreg [dreg:$0x1];
	p0 =	sne.s32 s2, $0x0  }
0x46: {  	s3 =	rddreg [dreg:$0x2];
	[bflag:$0x3] =	sbarrier.arrive $0xFFFF;
	s2 =	simm.s32 @!p0 $0x1C01  }
0x47: {  	[timem:s3], [sflag:s2] =	dma.local @!p0 [hbm:s0], s1  }
0x48: {  	s0 =	simm.s32 @!p0 $0x1  }
0x49: {  	_ =	swait.ge @!p0 [sflag:s0], s1  }
0x4a: {  	s1 =	ssub.s32 @!p0 $0x0, s1;
	[sflag:s0] =	ssyncset.done @!p0 $0x0  }
0x4b: {  	[sflag:s0] =	ssyncadd.s32 @!p0 s1  }
0x4c: {  	[bflag:$0x3] =	sbarrier.arrive $0xFFFF  }
0x4d: {  	_ =	shalt  }

</sc_bundles>
